<compile_context>
chip_gen: v7x
topology: tpu7x:2x2x1
jax: 0.10.2.dev20260603
libtpu: 0.0.44.dev20260713+nightly
codegen_flags: <defaults>
</compile_context>

<pallas_src>
import functools

import jax
import jax.numpy as jnp
from jax import lax
from jax.experimental import pallas as pl
from jax.experimental.pallas import tpu as pltpu
from jax.experimental.pallas import tpu_sc as plsc

_NBUF = 4
_CH = 200
_RBLK = 16384


def _pad_table(Wt):
    D, V = Wt.shape
    nblk = pl.cdiv(V, _RBLK)

    def body(wt_ref, out_ref):
        x = wt_ref[...]
        y = jnp.transpose(x, (1, 0))
        z = jnp.concatenate([y, jnp.zeros((_RBLK, 128 - D), jnp.float32)], axis=1)
        out_ref[...] = z

    return pl.pallas_call(
        body,
        grid=(nblk,),
        compiler_params=pltpu.CompilerParams(
            dimension_semantics=("arbitrary",)
        ),
        in_specs=[pl.BlockSpec((D, _RBLK), lambda i: (0, i))],
        out_specs=pl.BlockSpec((_RBLK, 128), lambda i: (i, 0)),
        out_shape=jax.ShapeDtypeStruct((V, 128), jnp.float32),
    )(Wt)


def _make_gather(S, T, V, D, NC, NS):
    NW = NC * NS
    s_per_w = S // NW
    nbuf = _NBUF
    ch = _CH
    n_chunks = s_per_w * T // ch
    n_outer = n_chunks // nbuf
    mesh = plsc.VectorSubcoreMesh(core_axis_name="c", subcore_axis_name="s")

    @functools.partial(
        pl.kernel,
        mesh=mesh,
        out_type=jax.ShapeDtypeStruct((S, T, 2 * D), jnp.float32),
        scratch_types=[
            pltpu.VMEM((s_per_w * T,), jnp.int32),
            pltpu.VMEM((nbuf * ch, 2 * D), jnp.float32),
            [pltpu.SemaphoreType.DMA] * _NBUF,
            [pltpu.SemaphoreType.DMA] * _NBUF,
        ],
    )
    def gather_kernel(table_hbm, idx_hbm, out_hbm, idx_v, rows_v, gsems, ssems):
        wid = lax.axis_index("s") * NC + lax.axis_index("c")
        base = wid * s_per_w
        pltpu.sync_copy(idx_hbm.at[pl.ds(base * T, s_per_w * T)], idx_v)

        def start_gather(j, b):
            pltpu.async_copy(
                table_hbm.at[idx_v.at[pl.ds(j * ch, ch)]],
                rows_v.at[pl.ds(b * ch, ch)],
                gsems[b],
            )

        def wait_gather(b):
            pltpu.make_async_copy(
                table_hbm.at[idx_v.at[pl.ds(0, ch)]],
                rows_v.at[pl.ds(0, ch)],
                gsems[b],
            ).wait()

        def start_store(j, b):
            s = base + j * ch // T
            h = j * ch % T
            pltpu.async_copy(
                rows_v.at[pl.ds(b * ch, ch)],
                out_hbm.at[s].at[pl.ds(h, ch)],
                ssems[b],
            )

        def wait_store(b):
            pltpu.make_async_copy(
                rows_v.at[pl.ds(0, ch)],
                out_hbm.at[base].at[pl.ds(0, ch)],
                ssems[b],
            ).wait()

        for b in range(nbuf):
            start_gather(b, b)

        def outer(go, carry):
            for b in range(nbuf):
                j = go * nbuf + b
                wait_gather(b)
                start_store(j, b)
                p = (b - 1) % nbuf
                jp = j - 1
                @pl.when(jp >= 0)
                def _():
                    wait_store(p)
                    start_gather(jp + nbuf, p)
            return carry

        lax.fori_loop(0, n_outer - 1, outer, 0)

        for b in range(nbuf):
            j = (n_outer - 1) * nbuf + b
            wait_gather(b)
            start_store(j, b)
            p = (b - 1) % nbuf
            jp = j - 1
            @pl.when((jp >= 0) & (jp < (n_outer - 1) * nbuf))
            def _():
                wait_store(p)
                start_gather(jp + nbuf, p)
        for b in range(nbuf):
            wait_store(b)

    return gather_kernel


def kernel(token_ids, W):
    S, T = token_ids.shape
    V, D = W.shape
    info = plsc.get_sparse_core_info()
    NC, NS = info.num_cores, info.num_subcores
    Wp = _pad_table(W.T)
    idx_flat = token_ids.reshape(S * T)
    out_wide = _make_gather(S, T, V, D, NC, NS)(Wp, idx_flat)
    return out_wide[:, :, :D]

# --- scband reference (transcript-rebuilt; emitter-appended) ---
"""Pipeline reference for scband-embedding-7842610283137 (READ-ONLY COPY).

The authoritative reference and input builder live on the scoring server;
editing this copy changes nothing except your own understanding.
"""

import jax, jax.numpy as jnp
import numpy as np

NUM_EMBEDDINGS = 1000000
EMBEDDING_DIM = 64

def _trunc_normal(key, shape, mean=0.0, std=1.0, a=-3.0, b=3.0):
    # truncated normal in [a*std, b*std] around mean
    u = jax.random.truncated_normal(key, a, b, shape, dtype=jnp.float32)
    return u * std + mean

def setup_inputs(seed: int = 0) -> dict:
    key = jax.random.key(seed)
    k1, k2 = jax.random.split(key)
    token_ids = jax.random.randint(k1, (4096, 200), 0, NUM_EMBEDDINGS, dtype=jnp.int64 if jax.config.jax_enable_x64 else jnp.int32)
    W = _trunc_normal(k2, (NUM_EMBEDDINGS, EMBEDDING_DIM))
    return {"token_ids": token_ids, "W": W}

def reference(token_ids, W):
    # Embedding lookup: weight[token_ids]
    return jnp.take(W, token_ids, axis=0)

if __name__ == "__main__":
    import jax
    _d = setup_inputs()
    print(jax.jit(kernel)(*tuple(_d.values())))

</pallas_src>

<mosaic_0001>
#map = affine_map<(d0, d1) -> (0, 0)>
#map1 = affine_map<(d0, d1) -> (0)>
#map2 = affine_map<(d0, d1) -> (0, 0, 0)>
module attributes {stable_mosaic.version = 14 : i64} {
  func.func @gather_kernel(%arg0: i32, %arg1: i32, %arg2: memref<1000000x128xf32, #tpu.memory_space<hbm>>, %arg3: memref<819200xi32, #tpu.memory_space<hbm>>, %arg4: memref<4096x200x128xf32, #tpu.memory_space<hbm>>, %arg5: memref<25600xi32, #tpu.memory_space<vmem>>, %arg6: memref<800x128xf32, #tpu.memory_space<vmem>>, %arg7: memref<!tpu.dma_semaphore, #tpu.memory_space<semaphore_mem>>, %arg8: memref<!tpu.dma_semaphore, #tpu.memory_space<semaphore_mem>>, %arg9: memref<!tpu.dma_semaphore, #tpu.memory_space<semaphore_mem>>, %arg10: memref<!tpu.dma_semaphore, #tpu.memory_space<semaphore_mem>>, %arg11: memref<!tpu.dma_semaphore, #tpu.memory_space<semaphore_mem>>, %arg12: memref<!tpu.dma_semaphore, #tpu.memory_space<semaphore_mem>>, %arg13: memref<!tpu.dma_semaphore, #tpu.memory_space<semaphore_mem>>, %arg14: memref<!tpu.dma_semaphore, #tpu.memory_space<semaphore_mem>>) attributes {dimension_semantics = [#tpu.dimension_semantics<core_parallel>, #tpu.dimension_semantics<subcore_parallel>], iteration_bounds = array<i64: 2, 16>, scalar_prefetch = 0 : i64, scratch_operands = 10 : i64, tpu.core_type = #tpu.core_type<sc_vector_subcore>, window_params = [{transform_indices = #map}, {transform_indices = #map1}, {transform_indices = #map2}]} {
    %mul3A = arith.constant 2 : i32
    %mul3A_0 = arith.muli %arg1, %mul3A : i32
    %add3A = arith.addi %mul3A_0, %arg0 : i32
    %mul3A_1 = arith.constant 128 : i32
    %mul3A_2 = arith.muli %add3A, %mul3A_1 : i32
    %mul3A_3 = arith.constant 200 : i32
    %mul3A_4 = arith.muli %mul3A_2, %mul3A_3 : i32
    "tpu.region"() ({
      %run_scoped3A = tpu.sem_alloc : memref<!tpu.dma_semaphore, #tpu.memory_space<semaphore_mem>>
      %dma_start3A_268 = tpu.memref_slice %arg3[%mul3A_4] : memref<819200xi32, #tpu.memory_space<hbm>> -> memref<25600xi32, #tpu.memory_space<hbm>>
      %dma_start3A_269 = tpu.memref_slice %arg3[%mul3A_4] : memref<819200xi32, #tpu.memory_space<hbm>> -> memref<25600xi32, #tpu.memory_space<hbm>>
      tpu.enqueue_dma source(%dma_start3A_269 : memref<25600xi32, #tpu.memory_space<hbm>>) target(%arg5 : memref<25600xi32, #tpu.memory_space<vmem>>) target_semaphore(%run_scoped3A : memref<!tpu.dma_semaphore, #tpu.memory_space<semaphore_mem>>)
      %dma_wait3A_270 = tpu.memref_slice %arg3[%mul3A_4] : memref<819200xi32, #tpu.memory_space<hbm>> -> memref<25600xi32, #tpu.memory_space<hbm>>
      %dma_wait3A_271 = tpu.memref_slice %arg3[%mul3A_4] : memref<819200xi32, #tpu.memory_space<hbm>> -> memref<25600xi32, #tpu.memory_space<hbm>>
      tpu.wait_dma2 semaphore(%run_scoped3A : memref<!tpu.dma_semaphore, #tpu.memory_space<semaphore_mem>>) src(%dma_wait3A_271 : memref<25600xi32, #tpu.memory_space<hbm>>) dst(%arg5 : memref<25600xi32, #tpu.memory_space<vmem>>)
      tpu.yield
    }) : () -> ()
    %dma_start3A = arith.constant 0 : i32
    %dma_start3A_5 = arith.constant 0 : i32
    %dma_start3A_6 = tpu.memref_slice %arg6[%dma_start3A, %dma_start3A_5] : memref<800x128xf32, #tpu.memory_space<vmem>> -> memref<200x128xf32, #tpu.memory_space<vmem>>
    %dma_start3A_7 = arith.constant 0 : i32
    %dma_start3A_8 = tpu.memref_slice %arg5[%dma_start3A_7] : memref<25600xi32, #tpu.memory_space<vmem>> -> memref<200xi32, #tpu.memory_space<vmem>>
    %dma_start3A_9 = arith.constant 0 : i32
    %dma_start3A_10 = arith.constant 0 : i32
    %dma_start3A_11 = tpu.memref_slice %arg2[%dma_start3A_9, %dma_start3A_10] : memref<1000000x128xf32, #tpu.memory_space<hbm>> -> memref<1000000x128xf32, #tpu.memory_space<hbm>>
    tpu.enqueue_indirect_dma source(%dma_start3A_11 : memref<1000000x128xf32, #tpu.memory_space<hbm>>) target(%dma_start3A_6 : memref<200x128xf32, #tpu.memory_space<vmem>>) offsets(%dma_start3A_8 : memref<200xi32, #tpu.memory_space<vmem>>) semaphore(%arg7 : memref<!tpu.dma_semaphore, #tpu.memory_space<semaphore_mem>>)
    %dma_start3A_12 = arith.constant 200 : i32
    %dma_start3A_13 = arith.constant 0 : i32
    %dma_start3A_14 = tpu.memref_slice %arg6[%dma_start3A_12, %dma_start3A_13] : memref<800x128xf32, #tpu.memory_space<vmem>> -> memref<200x128xf32, #tpu.memory_space<vmem>>
    %dma_start3A_15 = arith.constant 200 : i32
    %dma_start3A_16 = tpu.memref_slice %arg5[%dma_start3A_15] : memref<25600xi32, #tpu.memory_space<vmem>> -> memref<200xi32, #tpu.memory_space<vmem>>
    %dma_start3A_17 = arith.constant 0 : i32
    %dma_start3A_18 = arith.constant 0 : i32
    %dma_start3A_19 = tpu.memref_slice %arg2[%dma_start3A_17, %dma_start3A_18] : memref<1000000x128xf32, #tpu.memory_space<hbm>> -> memref<1000000x128xf32, #tpu.memory_space<hbm>>
    tpu.enqueue_indirect_dma source(%dma_start3A_19 : memref<1000000x128xf32, #tpu.memory_space<hbm>>) target(%dma_start3A_14 : memref<200x128xf32, #tpu.memory_space<vmem>>) offsets(%dma_start3A_16 : memref<200xi32, #tpu.memory_space<vmem>>) semaphore(%arg8 : memref<!tpu.dma_semaphore, #tpu.memory_space<semaphore_mem>>)
    %dma_start3A_20 = arith.constant 400 : i32
    %dma_start3A_21 = arith.constant 0 : i32
    %dma_start3A_22 = tpu.memref_slice %arg6[%dma_start3A_20, %dma_start3A_21] : memref<800x128xf32, #tpu.memory_space<vmem>> -> memref<200x128xf32, #tpu.memory_space<vmem>>
    %dma_start3A_23 = arith.constant 400 : i32
    %dma_start3A_24 = tpu.memref_slice %arg5[%dma_start3A_23] : memref<25600xi32, #tpu.memory_space<vmem>> -> memref<200xi32, #tpu.memory_space<vmem>>
    %dma_start3A_25 = arith.constant 0 : i32
    %dma_start3A_26 = arith.constant 0 : i32
    %dma_start3A_27 = tpu.memref_slice %arg2[%dma_start3A_25, %dma_start3A_26] : memref<1000000x128xf32, #tpu.memory_space<hbm>> -> memref<1000000x128xf32, #tpu.memory_space<hbm>>
    tpu.enqueue_indirect_dma source(%dma_start3A_27 : memref<1000000x128xf32, #tpu.memory_space<hbm>>) target(%dma_start3A_22 : memref<200x128xf32, #tpu.memory_space<vmem>>) offsets(%dma_start3A_24 : memref<200xi32, #tpu.memory_space<vmem>>) semaphore(%arg9 : memref<!tpu.dma_semaphore, #tpu.memory_space<semaphore_mem>>)
    %dma_start3A_28 = arith.constant 600 : i32
    %dma_start3A_29 = arith.constant 0 : i32
    %dma_start3A_30 = tpu.memref_slice %arg6[%dma_start3A_28, %dma_start3A_29] : memref<800x128xf32, #tpu.memory_space<vmem>> -> memref<200x128xf32, #tpu.memory_space<vmem>>
    %dma_start3A_31 = arith.constant 600 : i32
    %dma_start3A_32 = tpu.memref_slice %arg5[%dma_start3A_31] : memref<25600xi32, #tpu.memory_space<vmem>> -> memref<200xi32, #tpu.memory_space<vmem>>
    %dma_start3A_33 = arith.constant 0 : i32
    %dma_start3A_34 = arith.constant 0 : i32
    %dma_start3A_35 = tpu.memref_slice %arg2[%dma_start3A_33, %dma_start3A_34] : memref<1000000x128xf32, #tpu.memory_space<hbm>> -> memref<1000000x128xf32, #tpu.memory_space<hbm>>
    tpu.enqueue_indirect_dma source(%dma_start3A_35 : memref<1000000x128xf32, #tpu.memory_space<hbm>>) target(%dma_start3A_30 : memref<200x128xf32, #tpu.memory_space<vmem>>) offsets(%dma_start3A_32 : memref<200xi32, #tpu.memory_space<vmem>>) semaphore(%arg10 : memref<!tpu.dma_semaphore, #tpu.memory_space<semaphore_mem>>)
    %scan3A = arith.constant 0 : i32
    %scan3A_36 = arith.constant 0 : i32
    %scan3A_37 = arith.constant 31 : i32
    %scan3A_38 = arith.addi %scan3A_36, %scan3A_37 : i32
    %scan3A_39 = arith.constant 1 : i32
    scf.for %scan3A_268 = %scan3A_36 to %scan3A_38 step %scan3A_39  : i32 {
      %mul3A_269 = arith.constant 4 : i32
      %mul3A_270 = arith.muli %scan3A_268, %mul3A_269 : i32
      %add3A_271 = arith.constant 0 : i32
      %add3A_272 = arith.addi %mul3A_270, %add3A_271 : i32
      %dma_wait3A_273 = arith.constant 0 : i32
      %dma_wait3A_274 = arith.constant 0 : i32
      %dma_wait3A_275 = tpu.memref_slice %arg6[%dma_wait3A_273, %dma_wait3A_274] : memref<800x128xf32, #tpu.memory_space<vmem>> -> memref<200x128xf32, #tpu.memory_space<vmem>>
      %dma_wait3A_276 = arith.constant 0 : i32
      %dma_wait3A_277 = tpu.memref_slice %arg5[%dma_wait3A_276] : memref<25600xi32, #tpu.memory_space<vmem>> -> memref<200xi32, #tpu.memory_space<vmem>>
      %dma_wait3A_278 = arith.constant 0 : i32
      %dma_wait3A_279 = arith.constant 0 : i32
      %dma_wait3A_280 = tpu.memref_slice %arg2[%dma_wait3A_278, %dma_wait3A_279] : memref<1000000x128xf32, #tpu.memory_space<hbm>> -> memref<1000000x128xf32, #tpu.memory_space<hbm>>
      tpu.wait_indirect_dma semaphore(%arg7 : memref<!tpu.dma_semaphore, #tpu.memory_space<semaphore_mem>>) src(%dma_wait3A_280 : memref<1000000x128xf32, #tpu.memory_space<hbm>>) dst(%dma_wait3A_275 : memref<200x128xf32, #tpu.memory_space<vmem>>)
      %mul3A_281 = arith.constant 200 : i32
      %mul3A_282 = arith.muli %add3A_272, %mul3A_281 : i32
      %jit3A = arith.constant 200 : i32
      %div3A = arith.divsi %mul3A_282, %jit3A : i32
      %sign3A = arith.constant 0 : i32
      %sign3A_283 = arith.cmpi sgt, %mul3A_282, %sign3A : i32
      %sign3A_284 = arith.extui %sign3A_283 : i1 to i32
      %sign3A_285 = arith.constant 0 : i32
      %sign3A_286 = arith.cmpi slt, %mul3A_282, %sign3A_285 : i32
      %sign3A_287 = arith.extui %sign3A_286 : i1 to i32
      %sign3A_288 = arith.subi %sign3A_284, %sign3A_287 : i32
      %sign3A_289 = arith.constant 0 : i32
      %sign3A_290 = arith.cmpi sgt, %jit3A, %sign3A_289 : i32
      %sign3A_291 = arith.extui %sign3A_290 : i1 to i32
      %sign3A_292 = arith.constant 0 : i32
      %sign3A_293 = arith.cmpi slt, %jit3A, %sign3A_292 : i32
      %sign3A_294 = arith.extui %sign3A_293 : i1 to i32
      %sign3A_295 = arith.subi %sign3A_291, %sign3A_294 : i32
      %ne3A = arith.cmpi ne, %sign3A_288, %sign3A_295 : i32
      %rem3A = arith.remsi %mul3A_282, %jit3A : i32
      %ne3A_296 = arith.constant 0 : i32
      %ne3A_297 = arith.cmpi ne, %rem3A, %ne3A_296 : i32
      %and3A = arith.andi %ne3A, %ne3A_297 : i1
      %sub3A = arith.constant 1 : i32
      %sub3A_298 = arith.subi %div3A, %sub3A : i32
      %select_n3A = arith.select %and3A, %sub3A_298, %div3A : i32
      %add3A_299 = arith.addi %mul3A_2, %select_n3A : i32
      %mul3A_300 = arith.constant 200 : i32
      %mul3A_301 = arith.muli %add3A_272, %mul3A_300 : i32
      %jit3A_302 = arith.constant 200 : i32
      %eq3A = arith.constant 0 : i32
      %eq3A_303 = arith.cmpi eq, %jit3A_302, %eq3A : i32
      %jit3A_304 = arith.constant 1 : i32
      %select_n3A_305 = arith.select %eq3A_303, %jit3A_304, %jit3A_302 : i32
      %rem3A_306 = arith.remsi %mul3A_301, %select_n3A_305 : i32
      %ne3A_307 = arith.constant 0 : i32
      %ne3A_308 = arith.cmpi ne, %rem3A_306, %ne3A_307 : i32
      %lt3A = arith.constant 0 : i32
      %lt3A_309 = arith.cmpi slt, %rem3A_306, %lt3A : i32
      %lt3A_310 = arith.constant 0 : i32
      %lt3A_311 = arith.cmpi slt, %select_n3A_305, %lt3A_310 : i32
      %ne3A_312 = arith.xori %lt3A_309, %lt3A_311 : i1
      %and3A_313 = arith.andi %ne3A_312, %ne3A_308 : i1
      %add3A_314 = arith.addi %rem3A_306, %select_n3A_305 : i32
      %select_n3A_315 = arith.select %and3A_313, %add3A_314, %rem3A_306 : i32
      %dma_start3A_316 = arith.constant 0 : i32
      %dma_start3A_317 = arith.constant 0 : i32
      %dma_start3A_318 = tpu.memref_slice %arg6[%dma_start3A_316, %dma_start3A_317] : memref<800x128xf32, #tpu.memory_space<vmem>> -> memref<200x128xf32, #tpu.memory_space<vmem>>
      %dma_start3A_319 = arith.constant 0 : i32
      %dma_start3A_320 = arith.constant 0 : i32
      %dma_start3A_321 = tpu.memref_slice %arg4[%add3A_299, %dma_start3A_319, %dma_start3A_320] : memref<4096x200x128xf32, #tpu.memory_space<hbm>> -> memref<1x200x128xf32, #tpu.memory_space<hbm>>
      %dma_start3A_322 = tpu.memref_squeeze %dma_start3A_321 : memref<1x200x128xf32, #tpu.memory_space<hbm>> -> memref<200x128xf32, #tpu.memory_space<hbm>>
      %dma_start3A_323 = arith.constant 0 : i32
      %dma_start3A_324 = tpu.memref_slice %dma_start3A_322[%select_n3A_315, %dma_start3A_323] : memref<200x128xf32, #tpu.memory_space<hbm>> -> memref<200x128xf32, #tpu.memory_space<hbm>>
      %dma_start3A_325 = arith.constant 0 : i32
      %dma_start3A_326 = arith.constant 0 : i32
      %dma_start3A_327 = tpu.memref_slice %arg4[%add3A_299, %dma_start3A_325, %dma_start3A_326] : memref<4096x200x128xf32, #tpu.memory_space<hbm>> -> memref<1x200x128xf32, #tpu.memory_space<hbm>>
      %dma_start3A_328 = tpu.memref_squeeze %dma_start3A_327 : memref<1x200x128xf32, #tpu.memory_space<hbm>> -> memref<200x128xf32, #tpu.memory_space<hbm>>
      %dma_start3A_329 = arith.constant 0 : i32
      %dma_start3A_330 = tpu.memref_slice %dma_start3A_328[%select_n3A_315, %dma_start3A_329] : memref<200x128xf32, #tpu.memory_space<hbm>> -> memref<200x128xf32, #tpu.memory_space<hbm>>
      %dma_start3A_331 = arith.constant 0 : i32
      %dma_start3A_332 = arith.constant 0 : i32
      %dma_start3A_333 = tpu.memref_slice %arg6[%dma_start3A_331, %dma_start3A_332] : memref<800x128xf32, #tpu.memory_space<vmem>> -> memref<200x128xf32, #tpu.memory_space<vmem>>
      tpu.enqueue_dma source(%dma_start3A_333 : memref<200x128xf32, #tpu.memory_space<vmem>>) target(%dma_start3A_330 : memref<200x128xf32, #tpu.memory_space<hbm>>) target_semaphore(%arg11 : memref<!tpu.dma_semaphore, #tpu.memory_space<semaphore_mem>>)
      %sub3A_334 = arith.constant 1 : i32
      %sub3A_335 = arith.subi %add3A_272, %sub3A_334 : i32
      %ge3A = arith.constant 0 : i32
      %ge3A_336 = arith.cmpi sge, %sub3A_335, %ge3A : i32
      %convert_element_type3A = arith.extui %ge3A_336 : i1 to i32
      %cond3A = arith.constant 0 : i32
      %cond3A_337 = arith.cmpi ne, %convert_element_type3A, %cond3A : i32
      scf.if %cond3A_337 {
        %dma_wait3A_584 = arith.constant 0 : i32
        %dma_wait3A_585 = arith.constant 0 : i32
        %dma_wait3A_586 = tpu.memref_slice %arg6[%dma_wait3A_584, %dma_wait3A_585] : memref<800x128xf32, #tpu.memory_space<vmem>> -> memref<200x128xf32, #tpu.memory_space<vmem>>
        %dma_wait3A_587 = arith.constant 0 : i32
        %dma_wait3A_588 = arith.constant 0 : i32
        %dma_wait3A_589 = tpu.memref_slice %arg4[%mul3A_2, %dma_wait3A_587, %dma_wait3A_588] : memref<4096x200x128xf32, #tpu.memory_space<hbm>> -> memref<1x200x128xf32, #tpu.memory_space<hbm>>
        %dma_wait3A_590 = tpu.memref_squeeze %dma_wait3A_589 : memref<1x200x128xf32, #tpu.memory_space<hbm>> -> memref<200x128xf32, #tpu.memory_space<hbm>>
        %dma_wait3A_591 = arith.constant 0 : i32
        %dma_wait3A_592 = arith.constant 0 : i32
        %dma_wait3A_593 = tpu.memref_slice %dma_wait3A_590[%dma_wait3A_591, %dma_wait3A_592] : memref<200x128xf32, #tpu.memory_space<hbm>> -> memref<200x128xf32, #tpu.memory_space<hbm>>
        %dma_wait3A_594 = arith.constant 0 : i32
        %dma_wait3A_595 = arith.constant 0 : i32
        %dma_wait3A_596 = tpu.memref_slice %arg4[%mul3A_2, %dma_wait3A_594, %dma_wait3A_595] : memref<4096x200x128xf32, #tpu.memory_space<hbm>> -> memref<1x200x128xf32, #tpu.memory_space<hbm>>
        %dma_wait3A_597 = tpu.memref_squeeze %dma_wait3A_596 : memref<1x200x128xf32, #tpu.memory_space<hbm>> -> memref<200x128xf32, #tpu.memory_space<hbm>>
        %dma_wait3A_598 = arith.constant 0 : i32
        %dma_wait3A_599 = arith.constant 0 : i32
        %dma_wait3A_600 = tpu.memref_slice %dma_wait3A_597[%dma_wait3A_598, %dma_wait3A_599] : memref<200x128xf32, #tpu.memory_space<hbm>> -> memref<200x128xf32, #tpu.memory_space<hbm>>
        %dma_wait3A_601 = arith.constant 0 : i32
        %dma_wait3A_602 = arith.constant 0 : i32
        %dma_wait3A_603 = tpu.memref_slice %arg6[%dma_wait3A_601, %dma_wait3A_602] : memref<800x128xf32, #tpu.memory_space<vmem>> -> memref<200x128xf32, #tpu.memory_space<vmem>>
        tpu.wait_dma2 semaphore(%arg14 : memref<!tpu.dma_semaphore, #tpu.memory_space<semaphore_mem>>) src(%dma_wait3A_603 : memref<200x128xf32, #tpu.memory_space<vmem>>) dst(%dma_wait3A_600 : memref<200x128xf32, #tpu.memory_space<hbm>>)
        %add3A_604 = arith.constant 4 : i32
        %add3A_605 = arith.addi %sub3A_335, %add3A_604 : i32
        %mul3A_606 = arith.constant 200 : i32
        %mul3A_607 = arith.muli %add3A_605, %mul3A_606 : i32
        %dma_start3A_608 = arith.constant 600 : i32
        %dma_start3A_609 = arith.constant 0 : i32
        %dma_start3A_610 = tpu.memref_slice %arg6[%dma_start3A_608, %dma_start3A_609] : memref<800x128xf32, #tpu.memory_space<vmem>> -> memref<200x128xf32, #tpu.memory_space<vmem>>
        %dma_start3A_611 = tpu.memref_slice %arg5[%mul3A_607] : memref<25600xi32, #tpu.memory_space<vmem>> -> memref<200xi32, #tpu.memory_space<vmem>>
        %dma_start3A_612 = arith.constant 0 : i32
        %dma_start3A_613 = arith.constant 0 : i32
        %dma_start3A_614 = tpu.memref_slice %arg2[%dma_start3A_612, %dma_start3A_613] : memref<1000000x128xf32, #tpu.memory_space<hbm>> -> memref<1000000x128xf32, #tpu.memory_space<hbm>>
        tpu.enqueue_indirect_dma source(%dma_start3A_614 : memref<1000000x128xf32, #tpu.memory_space<hbm>>) target(%dma_start3A_610 : memref<200x128xf32, #tpu.memory_space<vmem>>) offsets(%dma_start3A_611 : memref<200xi32, #tpu.memory_space<vmem>>) semaphore(%arg10 : memref<!tpu.dma_semaphore, #tpu.memory_space<semaphore_mem>>)
      } else {
      }
      %mul3A_338 = arith.constant 4 : i32
      %mul3A_339 = arith.muli %scan3A_268, %mul3A_338 : i32
      %add3A_340 = arith.constant 1 : i32
      %add3A_341 = arith.addi %mul3A_339, %add3A_340 : i32
      %dma_wait3A_342 = arith.constant 0 : i32
      %dma_wait3A_343 = arith.constant 0 : i32
      %dma_wait3A_344 = tpu.memref_slice %arg6[%dma_wait3A_342, %dma_wait3A_343] : memref<800x128xf32, #tpu.memory_space<vmem>> -> memref<200x128xf32, #tpu.memory_space<vmem>>
      %dma_wait3A_345 = arith.constant 0 : i32
      %dma_wait3A_346 = tpu.memref_slice %arg5[%dma_wait3A_345] : memref<25600xi32, #tpu.memory_space<vmem>> -> memref<200xi32, #tpu.memory_space<vmem>>
      %dma_wait3A_347 = arith.constant 0 : i32
      %dma_wait3A_348 = arith.constant 0 : i32
      %dma_wait3A_349 = tpu.memref_slice %arg2[%dma_wait3A_347, %dma_wait3A_348] : memref<1000000x128xf32, #tpu.memory_space<hbm>> -> memref<1000000x128xf32, #tpu.memory_space<hbm>>
      tpu.wait_indirect_dma semaphore(%arg8 : memref<!tpu.dma_semaphore, #tpu.memory_space<semaphore_mem>>) src(%dma_wait3A_349 : memref<1000000x128xf32, #tpu.memory_space<hbm>>) dst(%dma_wait3A_344 : memref<200x128xf32, #tpu.memory_space<vmem>>)
      %mul3A_350 = arith.constant 200 : i32
      %mul3A_351 = arith.muli %add3A_341, %mul3A_350 : i32
      %jit3A_352 = arith.constant 200 : i32
      %div3A_353 = arith.divsi %mul3A_351, %jit3A_352 : i32
      %sign3A_354 = arith.constant 0 : i32
      %sign3A_355 = arith.cmpi sgt, %mul3A_351, %sign3A_354 : i32
      %sign3A_356 = arith.extui %sign3A_355 : i1 to i32
      %sign3A_357 = arith.constant 0 : i32
      %sign3A_358 = arith.cmpi slt, %mul3A_351, %sign3A_357 : i32
      %sign3A_359 = arith.extui %sign3A_358 : i1 to i32
      %sign3A_360 = arith.subi %sign3A_356, %sign3A_359 : i32
      %sign3A_361 = arith.constant 0 : i32
      %sign3A_362 = arith.cmpi sgt, %jit3A_352, %sign3A_361 : i32
      %sign3A_363 = arith.extui %sign3A_362 : i1 to i32
      %sign3A_364 = arith.constant 0 : i32
      %sign3A_365 = arith.cmpi slt, %jit3A_352, %sign3A_364 : i32
      %sign3A_366 = arith.extui %sign3A_365 : i1 to i32
      %sign3A_367 = arith.subi %sign3A_363, %sign3A_366 : i32
      %ne3A_368 = arith.cmpi ne, %sign3A_360, %sign3A_367 : i32
      %rem3A_369 = arith.remsi %mul3A_351, %jit3A_352 : i32
      %ne3A_370 = arith.constant 0 : i32
      %ne3A_371 = arith.cmpi ne, %rem3A_369, %ne3A_370 : i32
      %and3A_372 = arith.andi %ne3A_368, %ne3A_371 : i1
      %sub3A_373 = arith.constant 1 : i32
      %sub3A_374 = arith.subi %div3A_353, %sub3A_373 : i32
      %select_n3A_375 = arith.select %and3A_372, %sub3A_374, %div3A_353 : i32
      %add3A_376 = arith.addi %mul3A_2, %select_n3A_375 : i32
      %mul3A_377 = arith.constant 200 : i32
      %mul3A_378 = arith.muli %add3A_341, %mul3A_377 : i32
      %jit3A_379 = arith.constant 200 : i32
      %eq3A_380 = arith.constant 0 : i32
      %eq3A_381 = arith.cmpi eq, %jit3A_379, %eq3A_380 : i32
      %jit3A_382 = arith.constant 1 : i32
      %select_n3A_383 = arith.select %eq3A_381, %jit3A_382, %jit3A_379 : i32
      %rem3A_384 = arith.remsi %mul3A_378, %select_n3A_383 : i32
      %ne3A_385 = arith.constant 0 : i32
      %ne3A_386 = arith.cmpi ne, %rem3A_384, %ne3A_385 : i32
      %lt3A_387 = arith.constant 0 : i32
      %lt3A_388 = arith.cmpi slt, %rem3A_384, %lt3A_387 : i32
      %lt3A_389 = arith.constant 0 : i32
      %lt3A_390 = arith.cmpi slt, %select_n3A_383, %lt3A_389 : i32
      %ne3A_391 = arith.xori %lt3A_388, %lt3A_390 : i1
      %and3A_392 = arith.andi %ne3A_391, %ne3A_386 : i1
      %add3A_393 = arith.addi %rem3A_384, %select_n3A_383 : i32
      %select_n3A_394 = arith.select %and3A_392, %add3A_393, %rem3A_384 : i32
      %dma_start3A_395 = arith.constant 200 : i32
      %dma_start3A_396 = arith.constant 0 : i32
      %dma_start3A_397 = tpu.memref_slice %arg6[%dma_start3A_395, %dma_start3A_396] : memref<800x128xf32, #tpu.memory_space<vmem>> -> memref<200x128xf32, #tpu.memory_space<vmem>>
      %dma_start3A_398 = arith.constant 0 : i32
      %dma_start3A_399 = arith.constant 0 : i32
      %dma_start3A_400 = tpu.memref_slice %arg4[%add3A_376, %dma_start3A_398, %dma_start3A_399] : memref<4096x200x128xf32, #tpu.memory_space<hbm>> -> memref<1x200x128xf32, #tpu.memory_space<hbm>>
      %dma_start3A_401 = tpu.memref_squeeze %dma_start3A_400 : memref<1x200x128xf32, #tpu.memory_space<hbm>> -> memref<200x128xf32, #tpu.memory_space<hbm>>
      %dma_start3A_402 = arith.constant 0 : i32
      %dma_start3A_403 = tpu.memref_slice %dma_start3A_401[%select_n3A_394, %dma_start3A_402] : memref<200x128xf32, #tpu.memory_space<hbm>> -> memref<200x128xf32, #tpu.memory_space<hbm>>
      %dma_start3A_404 = arith.constant 0 : i32
      %dma_start3A_405 = arith.constant 0 : i32
      %dma_start3A_406 = tpu.memref_slice %arg4[%add3A_376, %dma_start3A_404, %dma_start3A_405] : memref<4096x200x128xf32, #tpu.memory_space<hbm>> -> memref<1x200x128xf32, #tpu.memory_space<hbm>>
      %dma_start3A_407 = tpu.memref_squeeze %dma_start3A_406 : memref<1x200x128xf32, #tpu.memory_space<hbm>> -> memref<200x128xf32, #tpu.memory_space<hbm>>
      %dma_start3A_408 = arith.constant 0 : i32
      %dma_start3A_409 = tpu.memref_slice %dma_start3A_407[%select_n3A_394, %dma_start3A_408] : memref<200x128xf32, #tpu.memory_space<hbm>> -> memref<200x128xf32, #tpu.memory_space<hbm>>
      %dma_start3A_410 = arith.constant 200 : i32
      %dma_start3A_411 = arith.constant 0 : i32
      %dma_start3A_412 = tpu.memref_slice %arg6[%dma_start3A_410, %dma_start3A_411] : memref<800x128xf32, #tpu.memory_space<vmem>> -> memref<200x128xf32, #tpu.memory_space<vmem>>
      tpu.enqueue_dma source(%dma_start3A_412 : memref<200x128xf32, #tpu.memory_space<vmem>>) target(%dma_start3A_409 : memref<200x128xf32, #tpu.memory_space<hbm>>) target_semaphore(%arg12 : memref<!tpu.dma_semaphore, #tpu.memory_space<semaphore_mem>>)
      %sub3A_413 = arith.constant 1 : i32
      %sub3A_414 = arith.subi %add3A_341, %sub3A_413 : i32
      %ge3A_415 = arith.constant 0 : i32
      %ge3A_416 = arith.cmpi sge, %sub3A_414, %ge3A_415 : i32
      %convert_element_type3A_417 = arith.extui %ge3A_416 : i1 to i32
      %cond3A_418 = arith.constant 0 : i32
      %cond3A_419 = arith.cmpi ne, %convert_element_type3A_417, %cond3A_418 : i32
      scf.if %cond3A_419 {
        %dma_wait3A_584 = arith.constant 0 : i32
        %dma_wait3A_585 = arith.constant 0 : i32
        %dma_wait3A_586 = tpu.memref_slice %arg6[%dma_wait3A_584, %dma_wait3A_585] : memref<800x128xf32, #tpu.memory_space<vmem>> -> memref<200x128xf32, #tpu.memory_space<vmem>>
        %dma_wait3A_587 = arith.constant 0 : i32
        %dma_wait3A_588 = arith.constant 0 : i32
        %dma_wait3A_589 = tpu.memref_slice %arg4[%mul3A_2, %dma_wait3A_587, %dma_wait3A_588] : memref<4096x200x128xf32, #tpu.memory_space<hbm>> -> memref<1x200x128xf32, #tpu.memory_space<hbm>>
        %dma_wait3A_590 = tpu.memref_squeeze %dma_wait3A_589 : memref<1x200x128xf32, #tpu.memory_space<hbm>> -> memref<200x128xf32, #tpu.memory_space<hbm>>
        %dma_wait3A_591 = arith.constant 0 : i32
        %dma_wait3A_592 = arith.constant 0 : i32
        %dma_wait3A_593 = tpu.memref_slice %dma_wait3A_590[%dma_wait3A_591, %dma_wait3A_592] : memref<200x128xf32, #tpu.memory_space<hbm>> -> memref<200x128xf32, #tpu.memory_space<hbm>>
        %dma_wait3A_594 = arith.constant 0 : i32
        %dma_wait3A_595 = arith.constant 0 : i32
        %dma_wait3A_596 = tpu.memref_slice %arg4[%mul3A_2, %dma_wait3A_594, %dma_wait3A_595] : memref<4096x200x128xf32, #tpu.memory_space<hbm>> -> memref<1x200x128xf32, #tpu.memory_space<hbm>>
        %dma_wait3A_597 = tpu.memref_squeeze %dma_wait3A_596 : memref<1x200x128xf32, #tpu.memory_space<hbm>> -> memref<200x128xf32, #tpu.memory_space<hbm>>
        %dma_wait3A_598 = arith.constant 0 : i32
        %dma_wait3A_599 = arith.constant 0 : i32
        %dma_wait3A_600 = tpu.memref_slice %dma_wait3A_597[%dma_wait3A_598, %dma_wait3A_599] : memref<200x128xf32, #tpu.memory_space<hbm>> -> memref<200x128xf32, #tpu.memory_space<hbm>>
        %dma_wait3A_601 = arith.constant 0 : i32
        %dma_wait3A_602 = arith.constant 0 : i32
        %dma_wait3A_603 = tpu.memref_slice %arg6[%dma_wait3A_601, %dma_wait3A_602] : memref<800x128xf32, #tpu.memory_space<vmem>> -> memref<200x128xf32, #tpu.memory_space<vmem>>
        tpu.wait_dma2 semaphore(%arg11 : memref<!tpu.dma_semaphore, #tpu.memory_space<semaphore_mem>>) src(%dma_wait3A_603 : memref<200x128xf32, #tpu.memory_space<vmem>>) dst(%dma_wait3A_600 : memref<200x128xf32, #tpu.memory_space<hbm>>)
        %add3A_604 = arith.constant 4 : i32
        %add3A_605 = arith.addi %sub3A_414, %add3A_604 : i32
        %mul3A_606 = arith.constant 200 : i32
        %mul3A_607 = arith.muli %add3A_605, %mul3A_606 : i32
        %dma_start3A_608 = arith.constant 0 : i32
        %dma_start3A_609 = arith.constant 0 : i32
        %dma_start3A_610 = tpu.memref_slice %arg6[%dma_start3A_608, %dma_start3A_609] : memref<800x128xf32, #tpu.memory_space<vmem>> -> memref<200x128xf32, #tpu.memory_space<vmem>>
        %dma_start3A_611 = tpu.memref_slice %arg5[%mul3A_607] : memref<25600xi32, #tpu.memory_space<vmem>> -> memref<200xi32, #tpu.memory_space<vmem>>
        %dma_start3A_612 = arith.constant 0 : i32
        %dma_start3A_613 = arith.constant 0 : i32
        %dma_start3A_614 = tpu.memref_slice %arg2[%dma_start3A_612, %dma_start3A_613] : memref<1000000x128xf32, #tpu.memory_space<hbm>> -> memref<1000000x128xf32, #tpu.memory_space<hbm>>
        tpu.enqueue_indirect_dma source(%dma_start3A_614 : memref<1000000x128xf32, #tpu.memory_space<hbm>>) target(%dma_start3A_610 : memref<200x128xf32, #tpu.memory_space<vmem>>) offsets(%dma_start3A_611 : memref<200xi32, #tpu.memory_space<vmem>>) semaphore(%arg7 : memref<!tpu.dma_semaphore, #tpu.memory_space<semaphore_mem>>)
      } else {
      }
      %mul3A_420 = arith.constant 4 : i32
      %mul3A_421 = arith.muli %scan3A_268, %mul3A_420 : i32
      %add3A_422 = arith.constant 2 : i32
      %add3A_423 = arith.addi %mul3A_421, %add3A_422 : i32
      %dma_wait3A_424 = arith.constant 0 : i32
      %dma_wait3A_425 = arith.constant 0 : i32
      %dma_wait3A_426 = tpu.memref_slice %arg6[%dma_wait3A_424, %dma_wait3A_425] : memref<800x128xf32, #tpu.memory_space<vmem>> -> memref<200x128xf32, #tpu.memory_space<vmem>>
      %dma_wait3A_427 = arith.constant 0 : i32
      %dma_wait3A_428 = tpu.memref_slice %arg5[%dma_wait3A_427] : memref<25600xi32, #tpu.memory_space<vmem>> -> memref<200xi32, #tpu.memory_space<vmem>>
      %dma_wait3A_429 = arith.constant 0 : i32
      %dma_wait3A_430 = arith.constant 0 : i32
      %dma_wait3A_431 = tpu.memref_slice %arg2[%dma_wait3A_429, %dma_wait3A_430] : memref<1000000x128xf32, #tpu.memory_space<hbm>> -> memref<1000000x128xf32, #tpu.memory_space<hbm>>
      tpu.wait_indirect_dma semaphore(%arg9 : memref<!tpu.dma_semaphore, #tpu.memory_space<semaphore_mem>>) src(%dma_wait3A_431 : memref<1000000x128xf32, #tpu.memory_space<hbm>>) dst(%dma_wait3A_426 : memref<200x128xf32, #tpu.memory_space<vmem>>)
      %mul3A_432 = arith.constant 200 : i32
      %mul3A_433 = arith.muli %add3A_423, %mul3A_432 : i32
      %jit3A_434 = arith.constant 200 : i32
      %div3A_435 = arith.divsi %mul3A_433, %jit3A_434 : i32
      %sign3A_436 = arith.constant 0 : i32
      %sign3A_437 = arith.cmpi sgt, %mul3A_433, %sign3A_436 : i32
      %sign3A_438 = arith.extui %sign3A_437 : i1 to i32
      %sign3A_439 = arith.constant 0 : i32
      %sign3A_440 = arith.cmpi slt, %mul3A_433, %sign3A_439 : i32
      %sign3A_441 = arith.extui %sign3A_440 : i1 to i32
      %sign3A_442 = arith.subi %sign3A_438, %sign3A_441 : i32
      %sign3A_443 = arith.constant 0 : i32
      %sign3A_444 = arith.cmpi sgt, %jit3A_434, %sign3A_443 : i32
      %sign3A_445 = arith.extui %sign3A_444 : i1 to i32
      %sign3A_446 = arith.constant 0 : i32
      %sign3A_447 = arith.cmpi slt, %jit3A_434, %sign3A_446 : i32
      %sign3A_448 = arith.extui %sign3A_447 : i1 to i32
      %sign3A_449 = arith.subi %sign3A_445, %sign3A_448 : i32
      %ne3A_450 = arith.cmpi ne, %sign3A_442, %sign3A_449 : i32
      %rem3A_451 = arith.remsi %mul3A_433, %jit3A_434 : i32
      %ne3A_452 = arith.constant 0 : i32
      %ne3A_453 = arith.cmpi ne, %rem3A_451, %ne3A_452 : i32
      %and3A_454 = arith.andi %ne3A_450, %ne3A_453 : i1
      %sub3A_455 = arith.constant 1 : i32
      %sub3A_456 = arith.subi %div3A_435, %sub3A_455 : i32
      %select_n3A_457 = arith.select %and3A_454, %sub3A_456, %div3A_435 : i32
      %add3A_458 = arith.addi %mul3A_2, %select_n3A_457 : i32
      %mul3A_459 = arith.constant 200 : i32
      %mul3A_460 = arith.muli %add3A_423, %mul3A_459 : i32
      %jit3A_461 = arith.constant 200 : i32
      %eq3A_462 = arith.constant 0 : i32
      %eq3A_463 = arith.cmpi eq, %jit3A_461, %eq3A_462 : i32
      %jit3A_464 = arith.constant 1 : i32
      %select_n3A_465 = arith.select %eq3A_463, %jit3A_464, %jit3A_461 : i32
      %rem3A_466 = arith.remsi %mul3A_460, %select_n3A_465 : i32
      %ne3A_467 = arith.constant 0 : i32
      %ne3A_468 = arith.cmpi ne, %rem3A_466, %ne3A_467 : i32
      %lt3A_469 = arith.constant 0 : i32
      %lt3A_470 = arith.cmpi slt, %rem3A_466, %lt3A_469 : i32
      %lt3A_471 = arith.constant 0 : i32
      %lt3A_472 = arith.cmpi slt, %select_n3A_465, %lt3A_471 : i32
      %ne3A_473 = arith.xori %lt3A_470, %lt3A_472 : i1
      %and3A_474 = arith.andi %ne3A_473, %ne3A_468 : i1
      %add3A_475 = arith.addi %rem3A_466, %select_n3A_465 : i32
      %select_n3A_476 = arith.select %and3A_474, %add3A_475, %rem3A_466 : i32
      %dma_start3A_477 = arith.constant 400 : i32
      %dma_start3A_478 = arith.constant 0 : i32
      %dma_start3A_479 = tpu.memref_slice %arg6[%dma_start3A_477, %dma_start3A_478] : memref<800x128xf32, #tpu.memory_space<vmem>> -> memref<200x128xf32, #tpu.memory_space<vmem>>
      %dma_start3A_480 = arith.constant 0 : i32
      %dma_start3A_481 = arith.constant 0 : i32
      %dma_start3A_482 = tpu.memref_slice %arg4[%add3A_458, %dma_start3A_480, %dma_start3A_481] : memref<4096x200x128xf32, #tpu.memory_space<hbm>> -> memref<1x200x128xf32, #tpu.memory_space<hbm>>
      %dma_start3A_483 = tpu.memref_squeeze %dma_start3A_482 : memref<1x200x128xf32, #tpu.memory_space<hbm>> -> memref<200x128xf32, #tpu.memory_space<hbm>>
      %dma_start3A_484 = arith.constant 0 : i32
      %dma_start3A_485 = tpu.memref_slice %dma_start3A_483[%select_n3A_476, %dma_start3A_484] : memref<200x128xf32, #tpu.memory_space<hbm>> -> memref<200x128xf32, #tpu.memory_space<hbm>>
      %dma_start3A_486 = arith.constant 0 : i32
      %dma_start3A_487 = arith.constant 0 : i32
      %dma_start3A_488 = tpu.memref_slice %arg4[%add3A_458, %dma_start3A_486, %dma_start3A_487] : memref<4096x200x128xf32, #tpu.memory_space<hbm>> -> memref<1x200x128xf32, #tpu.memory_space<hbm>>
      %dma_start3A_489 = tpu.memref_squeeze %dma_start3A_488 : memref<1x200x128xf32, #tpu.memory_space<hbm>> -> memref<200x128xf32, #tpu.memory_space<hbm>>
      %dma_start3A_490 = arith.constant 0 : i32
      %dma_start3A_491 = tpu.memref_slice %dma_start3A_489[%select_n3A_476, %dma_start3A_490] : memref<200x128xf32, #tpu.memory_space<hbm>> -> memref<200x128xf32, #tpu.memory_space<hbm>>
      %dma_start3A_492 = arith.constant 400 : i32
      %dma_start3A_493 = arith.constant 0 : i32
      %dma_start3A_494 = tpu.memref_slice %arg6[%dma_start3A_492, %dma_start3A_493] : memref<800x128xf32, #tpu.memory_space<vmem>> -> memref<200x128xf32, #tpu.memory_space<vmem>>
      tpu.enqueue_dma source(%dma_start3A_494 : memref<200x128xf32, #tpu.memory_space<vmem>>) target(%dma_start3A_491 : memref<200x128xf32, #tpu.memory_space<hbm>>) target_semaphore(%arg13 : memref<!tpu.dma_semaphore, #tpu.memory_space<semaphore_mem>>)
      %sub3A_495 = arith.constant 1 : i32
      %sub3A_496 = arith.subi %add3A_423, %sub3A_495 : i32
      %ge3A_497 = arith.constant 0 : i32
      %ge3A_498 = arith.cmpi sge, %sub3A_496, %ge3A_497 : i32
      %convert_element_type3A_499 = arith.extui %ge3A_498 : i1 to i32
      %cond3A_500 = arith.constant 0 : i32
      %cond3A_501 = arith.cmpi ne, %convert_element_type3A_499, %cond3A_500 : i32
      scf.if %cond3A_501 {
        %dma_wait3A_584 = arith.constant 0 : i32
        %dma_wait3A_585 = arith.constant 0 : i32
        %dma_wait3A_586 = tpu.memref_slice %arg6[%dma_wait3A_584, %dma_wait3A_585] : memref<800x128xf32, #tpu.memory_space<vmem>> -> memref<200x128xf32, #tpu.memory_space<vmem>>
        %dma_wait3A_587 = arith.constant 0 : i32
        %dma_wait3A_588 = arith.constant 0 : i32
        %dma_wait3A_589 = tpu.memref_slice %arg4[%mul3A_2, %dma_wait3A_587, %dma_wait3A_588] : memref<4096x200x128xf32, #tpu.memory_space<hbm>> -> memref<1x200x128xf32, #tpu.memory_space<hbm>>
        %dma_wait3A_590 = tpu.memref_squeeze %dma_wait3A_589 : memref<1x200x128xf32, #tpu.memory_space<hbm>> -> memref<200x128xf32, #tpu.memory_space<hbm>>
        %dma_wait3A_591 = arith.constant 0 : i32
        %dma_wait3A_592 = arith.constant 0 : i32
        %dma_wait3A_593 = tpu.memref_slice %dma_wait3A_590[%dma_wait3A_591, %dma_wait3A_592] : memref<200x128xf32, #tpu.memory_space<hbm>> -> memref<200x128xf32, #tpu.memory_space<hbm>>
        %dma_wait3A_594 = arith.constant 0 : i32
        %dma_wait3A_595 = arith.constant 0 : i32
        %dma_wait3A_596 = tpu.memref_slice %arg4[%mul3A_2, %dma_wait3A_594, %dma_wait3A_595] : memref<4096x200x128xf32, #tpu.memory_space<hbm>> -> memref<1x200x128xf32, #tpu.memory_space<hbm>>
        %dma_wait3A_597 = tpu.memref_squeeze %dma_wait3A_596 : memref<1x200x128xf32, #tpu.memory_space<hbm>> -> memref<200x128xf32, #tpu.memory_space<hbm>>
        %dma_wait3A_598 = arith.constant 0 : i32
        %dma_wait3A_599 = arith.constant 0 : i32
        %dma_wait3A_600 = tpu.memref_slice %dma_wait3A_597[%dma_wait3A_598, %dma_wait3A_599] : memref<200x128xf32, #tpu.memory_space<hbm>> -> memref<200x128xf32, #tpu.memory_space<hbm>>
        %dma_wait3A_601 = arith.constant 0 : i32
        %dma_wait3A_602 = arith.constant 0 : i32
        %dma_wait3A_603 = tpu.memref_slice %arg6[%dma_wait3A_601, %dma_wait3A_602] : memref<800x128xf32, #tpu.memory_space<vmem>> -> memref<200x128xf32, #tpu.memory_space<vmem>>
        tpu.wait_dma2 semaphore(%arg12 : memref<!tpu.dma_semaphore, #tpu.memory_space<semaphore_mem>>) src(%dma_wait3A_603 : memref<200x128xf32, #tpu.memory_space<vmem>>) dst(%dma_wait3A_600 : memref<200x128xf32, #tpu.memory_space<hbm>>)
        %add3A_604 = arith.constant 4 : i32
        %add3A_605 = arith.addi %sub3A_496, %add3A_604 : i32
        %mul3A_606 = arith.constant 200 : i32
        %mul3A_607 = arith.muli %add3A_605, %mul3A_606 : i32
        %dma_start3A_608 = arith.constant 200 : i32
        %dma_start3A_609 = arith.constant 0 : i32
        %dma_start3A_610 = tpu.memref_slice %arg6[%dma_start3A_608, %dma_start3A_609] : memref<800x128xf32, #tpu.memory_space<vmem>> -> memref<200x128xf32, #tpu.memory_space<vmem>>
        %dma_start3A_611 = tpu.memref_slice %arg5[%mul3A_607] : memref<25600xi32, #tpu.memory_space<vmem>> -> memref<200xi32, #tpu.memory_space<vmem>>
        %dma_start3A_612 = arith.constant 0 : i32
        %dma_start3A_613 = arith.constant 0 : i32
        %dma_start3A_614 = tpu.memref_slice %arg2[%dma_start3A_612, %dma_start3A_613] : memref<1000000x128xf32, #tpu.memory_space<hbm>> -> memref<1000000x128xf32, #tpu.memory_space<hbm>>
        tpu.enqueue_indirect_dma source(%dma_start3A_614 : memref<1000000x128xf32, #tpu.memory_space<hbm>>) target(%dma_start3A_610 : memref<200x128xf32, #tpu.memory_space<vmem>>) offsets(%dma_start3A_611 : memref<200xi32, #tpu.memory_space<vmem>>) semaphore(%arg8 : memref<!tpu.dma_semaphore, #tpu.memory_space<semaphore_mem>>)
      } else {
      }
      %mul3A_502 = arith.constant 4 : i32
      %mul3A_503 = arith.muli %scan3A_268, %mul3A_502 : i32
      %add3A_504 = arith.constant 3 : i32
      %add3A_505 = arith.addi %mul3A_503, %add3A_504 : i32
      %dma_wait3A_506 = arith.constant 0 : i32
      %dma_wait3A_507 = arith.constant 0 : i32
      %dma_wait3A_508 = tpu.memref_slice %arg6[%dma_wait3A_506, %dma_wait3A_507] : memref<800x128xf32, #tpu.memory_space<vmem>> -> memref<200x128xf32, #tpu.memory_space<vmem>>
      %dma_wait3A_509 = arith.constant 0 : i32
      %dma_wait3A_510 = tpu.memref_slice %arg5[%dma_wait3A_509] : memref<25600xi32, #tpu.memory_space<vmem>> -> memref<200xi32, #tpu.memory_space<vmem>>
      %dma_wait3A_511 = arith.constant 0 : i32
      %dma_wait3A_512 = arith.constant 0 : i32
      %dma_wait3A_513 = tpu.memref_slice %arg2[%dma_wait3A_511, %dma_wait3A_512] : memref<1000000x128xf32, #tpu.memory_space<hbm>> -> memref<1000000x128xf32, #tpu.memory_space<hbm>>
      tpu.wait_indirect_dma semaphore(%arg10 : memref<!tpu.dma_semaphore, #tpu.memory_space<semaphore_mem>>) src(%dma_wait3A_513 : memref<1000000x128xf32, #tpu.memory_space<hbm>>) dst(%dma_wait3A_508 : memref<200x128xf32, #tpu.memory_space<vmem>>)
      %mul3A_514 = arith.constant 200 : i32
      %mul3A_515 = arith.muli %add3A_505, %mul3A_514 : i32
      %jit3A_516 = arith.constant 200 : i32
      %div3A_517 = arith.divsi %mul3A_515, %jit3A_516 : i32
      %sign3A_518 = arith.constant 0 : i32
      %sign3A_519 = arith.cmpi sgt, %mul3A_515, %sign3A_518 : i32
      %sign3A_520 = arith.extui %sign3A_519 : i1 to i32
      %sign3A_521 = arith.constant 0 : i32
      %sign3A_522 = arith.cmpi slt, %mul3A_515, %sign3A_521 : i32
      %sign3A_523 = arith.extui %sign3A_522 : i1 to i32
      %sign3A_524 = arith.subi %sign3A_520, %sign3A_523 : i32
      %sign3A_525 = arith.constant 0 : i32
      %sign3A_526 = arith.cmpi sgt, %jit3A_516, %sign3A_525 : i32
      %sign3A_527 = arith.extui %sign3A_526 : i1 to i32
      %sign3A_528 = arith.constant 0 : i32
      %sign3A_529 = arith.cmpi slt, %jit3A_516, %sign3A_528 : i32
      %sign3A_530 = arith.extui %sign3A_529 : i1 to i32
      %sign3A_531 = arith.subi %sign3A_527, %sign3A_530 : i32
      %ne3A_532 = arith.cmpi ne, %sign3A_524, %sign3A_531 : i32
      %rem3A_533 = arith.remsi %mul3A_515, %jit3A_516 : i32
      %ne3A_534 = arith.constant 0 : i32
      %ne3A_535 = arith.cmpi ne, %rem3A_533, %ne3A_534 : i32
      %and3A_536 = arith.andi %ne3A_532, %ne3A_535 : i1
      %sub3A_537 = arith.constant 1 : i32
      %sub3A_538 = arith.subi %div3A_517, %sub3A_537 : i32
      %select_n3A_539 = arith.select %and3A_536, %sub3A_538, %div3A_517 : i32
      %add3A_540 = arith.addi %mul3A_2, %select_n3A_539 : i32
      %mul3A_541 = arith.constant 200 : i32
      %mul3A_542 = arith.muli %add3A_505, %mul3A_541 : i32
      %jit3A_543 = arith.constant 200 : i32
      %eq3A_544 = arith.constant 0 : i32
      %eq3A_545 = arith.cmpi eq, %jit3A_543, %eq3A_544 : i32
      %jit3A_546 = arith.constant 1 : i32
      %select_n3A_547 = arith.select %eq3A_545, %jit3A_546, %jit3A_543 : i32
      %rem3A_548 = arith.remsi %mul3A_542, %select_n3A_547 : i32
      %ne3A_549 = arith.constant 0 : i32
      %ne3A_550 = arith.cmpi ne, %rem3A_548, %ne3A_549 : i32
      %lt3A_551 = arith.constant 0 : i32
      %lt3A_552 = arith.cmpi slt, %rem3A_548, %lt3A_551 : i32
      %lt3A_553 = arith.constant 0 : i32
      %lt3A_554 = arith.cmpi slt, %select_n3A_547, %lt3A_553 : i32
      %ne3A_555 = arith.xori %lt3A_552, %lt3A_554 : i1
      %and3A_556 = arith.andi %ne3A_555, %ne3A_550 : i1
      %add3A_557 = arith.addi %rem3A_548, %select_n3A_547 : i32
      %select_n3A_558 = arith.select %and3A_556, %add3A_557, %rem3A_548 : i32
      %dma_start3A_559 = arith.constant 600 : i32
      %dma_start3A_560 = arith.constant 0 : i32
      %dma_start3A_561 = tpu.memref_slice %arg6[%dma_start3A_559, %dma_start3A_560] : memref<800x128xf32, #tpu.memory_space<vmem>> -> memref<200x128xf32, #tpu.memory_space<vmem>>
      %dma_start3A_562 = arith.constant 0 : i32
      %dma_start3A_563 = arith.constant 0 : i32
      %dma_start3A_564 = tpu.memref_slice %arg4[%add3A_540, %dma_start3A_562, %dma_start3A_563] : memref<4096x200x128xf32, #tpu.memory_space<hbm>> -> memref<1x200x128xf32, #tpu.memory_space<hbm>>
      %dma_start3A_565 = tpu.memref_squeeze %dma_start3A_564 : memref<1x200x128xf32, #tpu.memory_space<hbm>> -> memref<200x128xf32, #tpu.memory_space<hbm>>
      %dma_start3A_566 = arith.constant 0 : i32
      %dma_start3A_567 = tpu.memref_slice %dma_start3A_565[%select_n3A_558, %dma_start3A_566] : memref<200x128xf32, #tpu.memory_space<hbm>> -> memref<200x128xf32, #tpu.memory_space<hbm>>
      %dma_start3A_568 = arith.constant 0 : i32
      %dma_start3A_569 = arith.constant 0 : i32
      %dma_start3A_570 = tpu.memref_slice %arg4[%add3A_540, %dma_start3A_568, %dma_start3A_569] : memref<4096x200x128xf32, #tpu.memory_space<hbm>> -> memref<1x200x128xf32, #tpu.memory_space<hbm>>
      %dma_start3A_571 = tpu.memref_squeeze %dma_start3A_570 : memref<1x200x128xf32, #tpu.memory_space<hbm>> -> memref<200x128xf32, #tpu.memory_space<hbm>>
      %dma_start3A_572 = arith.constant 0 : i32
      %dma_start3A_573 = tpu.memref_slice %dma_start3A_571[%select_n3A_558, %dma_start3A_572] : memref<200x128xf32, #tpu.memory_space<hbm>> -> memref<200x128xf32, #tpu.memory_space<hbm>>
      %dma_start3A_574 = arith.constant 600 : i32
      %dma_start3A_575 = arith.constant 0 : i32
      %dma_start3A_576 = tpu.memref_slice %arg6[%dma_start3A_574, %dma_start3A_575] : memref<800x128xf32, #tpu.memory_space<vmem>> -> memref<200x128xf32, #tpu.memory_space<vmem>>
      tpu.enqueue_dma source(%dma_start3A_576 : memref<200x128xf32, #tpu.memory_space<vmem>>) target(%dma_start3A_573 : memref<200x128xf32, #tpu.memory_space<hbm>>) target_semaphore(%arg14 : memref<!tpu.dma_semaphore, #tpu.memory_space<semaphore_mem>>)
      %sub3A_577 = arith.constant 1 : i32
      %sub3A_578 = arith.subi %add3A_505, %sub3A_577 : i32
      %ge3A_579 = arith.constant 0 : i32
      %ge3A_580 = arith.cmpi sge, %sub3A_578, %ge3A_579 : i32
      %convert_element_type3A_581 = arith.extui %ge3A_580 : i1 to i32
      %cond3A_582 = arith.constant 0 : i32
      %cond3A_583 = arith.cmpi ne, %convert_element_type3A_581, %cond3A_582 : i32
      scf.if %cond3A_583 {
        %dma_wait3A_584 = arith.constant 0 : i32
        %dma_wait3A_585 = arith.constant 0 : i32
        %dma_wait3A_586 = tpu.memref_slice %arg6[%dma_wait3A_584, %dma_wait3A_585] : memref<800x128xf32, #tpu.memory_space<vmem>> -> memref<200x128xf32, #tpu.memory_space<vmem>>
        %dma_wait3A_587 = arith.constant 0 : i32
        %dma_wait3A_588 = arith.constant 0 : i32
        %dma_wait3A_589 = tpu.memref_slice %arg4[%mul3A_2, %dma_wait3A_587, %dma_wait3A_588] : memref<4096x200x128xf32, #tpu.memory_space<hbm>> -> memref<1x200x128xf32, #tpu.memory_space<hbm>>
        %dma_wait3A_590 = tpu.memref_squeeze %dma_wait3A_589 : memref<1x200x128xf32, #tpu.memory_space<hbm>> -> memref<200x128xf32, #tpu.memory_space<hbm>>
        %dma_wait3A_591 = arith.constant 0 : i32
        %dma_wait3A_592 = arith.constant 0 : i32
        %dma_wait3A_593 = tpu.memref_slice %dma_wait3A_590[%dma_wait3A_591, %dma_wait3A_592] : memref<200x128xf32, #tpu.memory_space<hbm>> -> memref<200x128xf32, #tpu.memory_space<hbm>>
        %dma_wait3A_594 = arith.constant 0 : i32
        %dma_wait3A_595 = arith.constant 0 : i32
        %dma_wait3A_596 = tpu.memref_slice %arg4[%mul3A_2, %dma_wait3A_594, %dma_wait3A_595] : memref<4096x200x128xf32, #tpu.memory_space<hbm>> -> memref<1x200x128xf32, #tpu.memory_space<hbm>>
        %dma_wait3A_597 = tpu.memref_squeeze %dma_wait3A_596 : memref<1x200x128xf32, #tpu.memory_space<hbm>> -> memref<200x128xf32, #tpu.memory_space<hbm>>
        %dma_wait3A_598 = arith.constant 0 : i32
        %dma_wait3A_599 = arith.constant 0 : i32
        %dma_wait3A_600 = tpu.memref_slice %dma_wait3A_597[%dma_wait3A_598, %dma_wait3A_599] : memref<200x128xf32, #tpu.memory_space<hbm>> -> memref<200x128xf32, #tpu.memory_space<hbm>>
        %dma_wait3A_601 = arith.constant 0 : i32
        %dma_wait3A_602 = arith.constant 0 : i32
        %dma_wait3A_603 = tpu.memref_slice %arg6[%dma_wait3A_601, %dma_wait3A_602] : memref<800x128xf32, #tpu.memory_space<vmem>> -> memref<200x128xf32, #tpu.memory_space<vmem>>
        tpu.wait_dma2 semaphore(%arg13 : memref<!tpu.dma_semaphore, #tpu.memory_space<semaphore_mem>>) src(%dma_wait3A_603 : memref<200x128xf32, #tpu.memory_space<vmem>>) dst(%dma_wait3A_600 : memref<200x128xf32, #tpu.memory_space<hbm>>)
        %add3A_604 = arith.constant 4 : i32
        %add3A_605 = arith.addi %sub3A_578, %add3A_604 : i32
        %mul3A_606 = arith.constant 200 : i32
        %mul3A_607 = arith.muli %add3A_605, %mul3A_606 : i32
        %dma_start3A_608 = arith.constant 400 : i32
        %dma_start3A_609 = arith.constant 0 : i32
        %dma_start3A_610 = tpu.memref_slice %arg6[%dma_start3A_608, %dma_start3A_609] : memref<800x128xf32, #tpu.memory_space<vmem>> -> memref<200x128xf32, #tpu.memory_space<vmem>>
        %dma_start3A_611 = tpu.memref_slice %arg5[%mul3A_607] : memref<25600xi32, #tpu.memory_space<vmem>> -> memref<200xi32, #tpu.memory_space<vmem>>
        %dma_start3A_612 = arith.constant 0 : i32
        %dma_start3A_613 = arith.constant 0 : i32
        %dma_start3A_614 = tpu.memref_slice %arg2[%dma_start3A_612, %dma_start3A_613] : memref<1000000x128xf32, #tpu.memory_space<hbm>> -> memref<1000000x128xf32, #tpu.memory_space<hbm>>
        tpu.enqueue_indirect_dma source(%dma_start3A_614 : memref<1000000x128xf32, #tpu.memory_space<hbm>>) target(%dma_start3A_610 : memref<200x128xf32, #tpu.memory_space<vmem>>) offsets(%dma_start3A_611 : memref<200xi32, #tpu.memory_space<vmem>>) semaphore(%arg9 : memref<!tpu.dma_semaphore, #tpu.memory_space<semaphore_mem>>)
      } else {
      }
    }
    %scan3A_40 = arith.constant 31 : i32
    %dma_wait3A = arith.constant 0 : i32
    %dma_wait3A_41 = arith.constant 0 : i32
    %dma_wait3A_42 = tpu.memref_slice %arg6[%dma_wait3A, %dma_wait3A_41] : memref<800x128xf32, #tpu.memory_space<vmem>> -> memref<200x128xf32, #tpu.memory_space<vmem>>
    %dma_wait3A_43 = arith.constant 0 : i32
    %dma_wait3A_44 = tpu.memref_slice %arg5[%dma_wait3A_43] : memref<25600xi32, #tpu.memory_space<vmem>> -> memref<200xi32, #tpu.memory_space<vmem>>
    %dma_wait3A_45 = arith.constant 0 : i32
    %dma_wait3A_46 = arith.constant 0 : i32
    %dma_wait3A_47 = tpu.memref_slice %arg2[%dma_wait3A_45, %dma_wait3A_46] : memref<1000000x128xf32, #tpu.memory_space<hbm>> -> memref<1000000x128xf32, #tpu.memory_space<hbm>>
    tpu.wait_indirect_dma semaphore(%arg7 : memref<!tpu.dma_semaphore, #tpu.memory_space<semaphore_mem>>) src(%dma_wait3A_47 : memref<1000000x128xf32, #tpu.memory_space<hbm>>) dst(%dma_wait3A_42 : memref<200x128xf32, #tpu.memory_space<vmem>>)
    %add3A_48 = arith.constant 124 : i32
    %add3A_49 = arith.addi %mul3A_2, %add3A_48 : i32
    %dma_start3A_50 = arith.constant 0 : i32
    %dma_start3A_51 = arith.constant 0 : i32
    %dma_start3A_52 = tpu.memref_slice %arg6[%dma_start3A_50, %dma_start3A_51] : memref<800x128xf32, #tpu.memory_space<vmem>> -> memref<200x128xf32, #tpu.memory_space<vmem>>
    %dma_start3A_53 = arith.constant 0 : i32
    %dma_start3A_54 = arith.constant 0 : i32
    %dma_start3A_55 = tpu.memref_slice %arg4[%add3A_49, %dma_start3A_53, %dma_start3A_54] : memref<4096x200x128xf32, #tpu.memory_space<hbm>> -> memref<1x200x128xf32, #tpu.memory_space<hbm>>
    %dma_start3A_56 = tpu.memref_squeeze %dma_start3A_55 : memref<1x200x128xf32, #tpu.memory_space<hbm>> -> memref<200x128xf32, #tpu.memory_space<hbm>>
    %dma_start3A_57 = arith.constant 0 : i32
    %dma_start3A_58 = arith.constant 0 : i32
    %dma_start3A_59 = tpu.memref_slice %dma_start3A_56[%dma_start3A_57, %dma_start3A_58] : memref<200x128xf32, #tpu.memory_space<hbm>> -> memref<200x128xf32, #tpu.memory_space<hbm>>
    %dma_start3A_60 = arith.constant 0 : i32
    %dma_start3A_61 = arith.constant 0 : i32
    %dma_start3A_62 = tpu.memref_slice %arg4[%add3A_49, %dma_start3A_60, %dma_start3A_61] : memref<4096x200x128xf32, #tpu.memory_space<hbm>> -> memref<1x200x128xf32, #tpu.memory_space<hbm>>
    %dma_start3A_63 = tpu.memref_squeeze %dma_start3A_62 : memref<1x200x128xf32, #tpu.memory_space<hbm>> -> memref<200x128xf32, #tpu.memory_space<hbm>>
    %dma_start3A_64 = arith.constant 0 : i32
    %dma_start3A_65 = arith.constant 0 : i32
    %dma_start3A_66 = tpu.memref_slice %dma_start3A_63[%dma_start3A_64, %dma_start3A_65] : memref<200x128xf32, #tpu.memory_space<hbm>> -> memref<200x128xf32, #tpu.memory_space<hbm>>
    %dma_start3A_67 = arith.constant 0 : i32
    %dma_start3A_68 = arith.constant 0 : i32
    %dma_start3A_69 = tpu.memref_slice %arg6[%dma_start3A_67, %dma_start3A_68] : memref<800x128xf32, #tpu.memory_space<vmem>> -> memref<200x128xf32, #tpu.memory_space<vmem>>
    tpu.enqueue_dma source(%dma_start3A_69 : memref<200x128xf32, #tpu.memory_space<vmem>>) target(%dma_start3A_66 : memref<200x128xf32, #tpu.memory_space<hbm>>) target_semaphore(%arg11 : memref<!tpu.dma_semaphore, #tpu.memory_space<semaphore_mem>>)
    %dma_wait3A_70 = arith.constant 0 : i32
    %dma_wait3A_71 = arith.constant 0 : i32
    %dma_wait3A_72 = tpu.memref_slice %arg6[%dma_wait3A_70, %dma_wait3A_71] : memref<800x128xf32, #tpu.memory_space<vmem>> -> memref<200x128xf32, #tpu.memory_space<vmem>>
    %dma_wait3A_73 = arith.constant 0 : i32
    %dma_wait3A_74 = arith.constant 0 : i32
    %dma_wait3A_75 = tpu.memref_slice %arg4[%mul3A_2, %dma_wait3A_73, %dma_wait3A_74] : memref<4096x200x128xf32, #tpu.memory_space<hbm>> -> memref<1x200x128xf32, #tpu.memory_space<hbm>>
    %dma_wait3A_76 = tpu.memref_squeeze %dma_wait3A_75 : memref<1x200x128xf32, #tpu.memory_space<hbm>> -> memref<200x128xf32, #tpu.memory_space<hbm>>
    %dma_wait3A_77 = arith.constant 0 : i32
    %dma_wait3A_78 = arith.constant 0 : i32
    %dma_wait3A_79 = tpu.memref_slice %dma_wait3A_76[%dma_wait3A_77, %dma_wait3A_78] : memref<200x128xf32, #tpu.memory_space<hbm>> -> memref<200x128xf32, #tpu.memory_space<hbm>>
    %dma_wait3A_80 = arith.constant 0 : i32
    %dma_wait3A_81 = arith.constant 0 : i32
    %dma_wait3A_82 = tpu.memref_slice %arg4[%mul3A_2, %dma_wait3A_80, %dma_wait3A_81] : memref<4096x200x128xf32, #tpu.memory_space<hbm>> -> memref<1x200x128xf32, #tpu.memory_space<hbm>>
    %dma_wait3A_83 = tpu.memref_squeeze %dma_wait3A_82 : memref<1x200x128xf32, #tpu.memory_space<hbm>> -> memref<200x128xf32, #tpu.memory_space<hbm>>
    %dma_wait3A_84 = arith.constant 0 : i32
    %dma_wait3A_85 = arith.constant 0 : i32
    %dma_wait3A_86 = tpu.memref_slice %dma_wait3A_83[%dma_wait3A_84, %dma_wait3A_85] : memref<200x128xf32, #tpu.memory_space<hbm>> -> memref<200x128xf32, #tpu.memory_space<hbm>>
    %dma_wait3A_87 = arith.constant 0 : i32
    %dma_wait3A_88 = arith.constant 0 : i32
    %dma_wait3A_89 = tpu.memref_slice %arg6[%dma_wait3A_87, %dma_wait3A_88] : memref<800x128xf32, #tpu.memory_space<vmem>> -> memref<200x128xf32, #tpu.memory_space<vmem>>
    tpu.wait_dma2 semaphore(%arg14 : memref<!tpu.dma_semaphore, #tpu.memory_space<semaphore_mem>>) src(%dma_wait3A_89 : memref<200x128xf32, #tpu.memory_space<vmem>>) dst(%dma_wait3A_86 : memref<200x128xf32, #tpu.memory_space<hbm>>)
    %dma_start3A_90 = arith.constant 600 : i32
    %dma_start3A_91 = arith.constant 0 : i32
    %dma_start3A_92 = tpu.memref_slice %arg6[%dma_start3A_90, %dma_start3A_91] : memref<800x128xf32, #tpu.memory_space<vmem>> -> memref<200x128xf32, #tpu.memory_space<vmem>>
    %dma_start3A_93 = arith.constant 25400 : i32
    %dma_start3A_94 = tpu.memref_slice %arg5[%dma_start3A_93] : memref<25600xi32, #tpu.memory_space<vmem>> -> memref<200xi32, #tpu.memory_space<vmem>>
    %dma_start3A_95 = arith.constant 0 : i32
    %dma_start3A_96 = arith.constant 0 : i32
    %dma_start3A_97 = tpu.memref_slice %arg2[%dma_start3A_95, %dma_start3A_96] : memref<1000000x128xf32, #tpu.memory_space<hbm>> -> memref<1000000x128xf32, #tpu.memory_space<hbm>>
    tpu.enqueue_indirect_dma source(%dma_start3A_97 : memref<1000000x128xf32, #tpu.memory_space<hbm>>) target(%dma_start3A_92 : memref<200x128xf32, #tpu.memory_space<vmem>>) offsets(%dma_start3A_94 : memref<200xi32, #tpu.memory_space<vmem>>) semaphore(%arg10 : memref<!tpu.dma_semaphore, #tpu.memory_space<semaphore_mem>>)
    %dma_wait3A_98 = arith.constant 0 : i32
    %dma_wait3A_99 = arith.constant 0 : i32
    %dma_wait3A_100 = tpu.memref_slice %arg6[%dma_wait3A_98, %dma_wait3A_99] : memref<800x128xf32, #tpu.memory_space<vmem>> -> memref<200x128xf32, #tpu.memory_space<vmem>>
    %dma_wait3A_101 = arith.constant 0 : i32
    %dma_wait3A_102 = tpu.memref_slice %arg5[%dma_wait3A_101] : memref<25600xi32, #tpu.memory_space<vmem>> -> memref<200xi32, #tpu.memory_space<vmem>>
    %dma_wait3A_103 = arith.constant 0 : i32
    %dma_wait3A_104 = arith.constant 0 : i32
    %dma_wait3A_105 = tpu.memref_slice %arg2[%dma_wait3A_103, %dma_wait3A_104] : memref<1000000x128xf32, #tpu.memory_space<hbm>> -> memref<1000000x128xf32, #tpu.memory_space<hbm>>
    tpu.wait_indirect_dma semaphore(%arg8 : memref<!tpu.dma_semaphore, #tpu.memory_space<semaphore_mem>>) src(%dma_wait3A_105 : memref<1000000x128xf32, #tpu.memory_space<hbm>>) dst(%dma_wait3A_100 : memref<200x128xf32, #tpu.memory_space<vmem>>)
    %add3A_106 = arith.constant 125 : i32
    %add3A_107 = arith.addi %mul3A_2, %add3A_106 : i32
    %dma_start3A_108 = arith.constant 200 : i32
    %dma_start3A_109 = arith.constant 0 : i32
    %dma_start3A_110 = tpu.memref_slice %arg6[%dma_start3A_108, %dma_start3A_109] : memref<800x128xf32, #tpu.memory_space<vmem>> -> memref<200x128xf32, #tpu.memory_space<vmem>>
    %dma_start3A_111 = arith.constant 0 : i32
    %dma_start3A_112 = arith.constant 0 : i32
    %dma_start3A_113 = tpu.memref_slice %arg4[%add3A_107, %dma_start3A_111, %dma_start3A_112] : memref<4096x200x128xf32, #tpu.memory_space<hbm>> -> memref<1x200x128xf32, #tpu.memory_space<hbm>>
    %dma_start3A_114 = tpu.memref_squeeze %dma_start3A_113 : memref<1x200x128xf32, #tpu.memory_space<hbm>> -> memref<200x128xf32, #tpu.memory_space<hbm>>
    %dma_start3A_115 = arith.constant 0 : i32
    %dma_start3A_116 = arith.constant 0 : i32
    %dma_start3A_117 = tpu.memref_slice %dma_start3A_114[%dma_start3A_115, %dma_start3A_116] : memref<200x128xf32, #tpu.memory_space<hbm>> -> memref<200x128xf32, #tpu.memory_space<hbm>>
    %dma_start3A_118 = arith.constant 0 : i32
    %dma_start3A_119 = arith.constant 0 : i32
    %dma_start3A_120 = tpu.memref_slice %arg4[%add3A_107, %dma_start3A_118, %dma_start3A_119] : memref<4096x200x128xf32, #tpu.memory_space<hbm>> -> memref<1x200x128xf32, #tpu.memory_space<hbm>>
    %dma_start3A_121 = tpu.memref_squeeze %dma_start3A_120 : memref<1x200x128xf32, #tpu.memory_space<hbm>> -> memref<200x128xf32, #tpu.memory_space<hbm>>
    %dma_start3A_122 = arith.constant 0 : i32
    %dma_start3A_123 = arith.constant 0 : i32
    %dma_start3A_124 = tpu.memref_slice %dma_start3A_121[%dma_start3A_122, %dma_start3A_123] : memref<200x128xf32, #tpu.memory_space<hbm>> -> memref<200x128xf32, #tpu.memory_space<hbm>>
    %dma_start3A_125 = arith.constant 200 : i32
    %dma_start3A_126 = arith.constant 0 : i32
    %dma_start3A_127 = tpu.memref_slice %arg6[%dma_start3A_125, %dma_start3A_126] : memref<800x128xf32, #tpu.memory_space<vmem>> -> memref<200x128xf32, #tpu.memory_space<vmem>>
    tpu.enqueue_dma source(%dma_start3A_127 : memref<200x128xf32, #tpu.memory_space<vmem>>) target(%dma_start3A_124 : memref<200x128xf32, #tpu.memory_space<hbm>>) target_semaphore(%arg12 : memref<!tpu.dma_semaphore, #tpu.memory_space<semaphore_mem>>)
    %dma_wait3A_128 = arith.constant 0 : i32
    %dma_wait3A_129 = arith.constant 0 : i32
    %dma_wait3A_130 = tpu.memref_slice %arg6[%dma_wait3A_128, %dma_wait3A_129] : memref<800x128xf32, #tpu.memory_space<vmem>> -> memref<200x128xf32, #tpu.memory_space<vmem>>
    %dma_wait3A_131 = arith.constant 0 : i32
    %dma_wait3A_132 = tpu.memref_slice %arg5[%dma_wait3A_131] : memref<25600xi32, #tpu.memory_space<vmem>> -> memref<200xi32, #tpu.memory_space<vmem>>
    %dma_wait3A_133 = arith.constant 0 : i32
    %dma_wait3A_134 = arith.constant 0 : i32
    %dma_wait3A_135 = tpu.memref_slice %arg2[%dma_wait3A_133, %dma_wait3A_134] : memref<1000000x128xf32, #tpu.memory_space<hbm>> -> memref<1000000x128xf32, #tpu.memory_space<hbm>>
    tpu.wait_indirect_dma semaphore(%arg9 : memref<!tpu.dma_semaphore, #tpu.memory_space<semaphore_mem>>) src(%dma_wait3A_135 : memref<1000000x128xf32, #tpu.memory_space<hbm>>) dst(%dma_wait3A_130 : memref<200x128xf32, #tpu.memory_space<vmem>>)
    %add3A_136 = arith.constant 126 : i32
    %add3A_137 = arith.addi %mul3A_2, %add3A_136 : i32
    %dma_start3A_138 = arith.constant 400 : i32
    %dma_start3A_139 = arith.constant 0 : i32
    %dma_start3A_140 = tpu.memref_slice %arg6[%dma_start3A_138, %dma_start3A_139] : memref<800x128xf32, #tpu.memory_space<vmem>> -> memref<200x128xf32, #tpu.memory_space<vmem>>
    %dma_start3A_141 = arith.constant 0 : i32
    %dma_start3A_142 = arith.constant 0 : i32
    %dma_start3A_143 = tpu.memref_slice %arg4[%add3A_137, %dma_start3A_141, %dma_start3A_142] : memref<4096x200x128xf32, #tpu.memory_space<hbm>> -> memref<1x200x128xf32, #tpu.memory_space<hbm>>
    %dma_start3A_144 = tpu.memref_squeeze %dma_start3A_143 : memref<1x200x128xf32, #tpu.memory_space<hbm>> -> memref<200x128xf32, #tpu.memory_space<hbm>>
    %dma_start3A_145 = arith.constant 0 : i32
    %dma_start3A_146 = arith.constant 0 : i32
    %dma_start3A_147 = tpu.memref_slice %dma_start3A_144[%dma_start3A_145, %dma_start3A_146] : memref<200x128xf32, #tpu.memory_space<hbm>> -> memref<200x128xf32, #tpu.memory_space<hbm>>
    %dma_start3A_148 = arith.constant 0 : i32
    %dma_start3A_149 = arith.constant 0 : i32
    %dma_start3A_150 = tpu.memref_slice %arg4[%add3A_137, %dma_start3A_148, %dma_start3A_149] : memref<4096x200x128xf32, #tpu.memory_space<hbm>> -> memref<1x200x128xf32, #tpu.memory_space<hbm>>
    %dma_start3A_151 = tpu.memref_squeeze %dma_start3A_150 : memref<1x200x128xf32, #tpu.memory_space<hbm>> -> memref<200x128xf32, #tpu.memory_space<hbm>>
    %dma_start3A_152 = arith.constant 0 : i32
    %dma_start3A_153 = arith.constant 0 : i32
    %dma_start3A_154 = tpu.memref_slice %dma_start3A_151[%dma_start3A_152, %dma_start3A_153] : memref<200x128xf32, #tpu.memory_space<hbm>> -> memref<200x128xf32, #tpu.memory_space<hbm>>
    %dma_start3A_155 = arith.constant 400 : i32
    %dma_start3A_156 = arith.constant 0 : i32
    %dma_start3A_157 = tpu.memref_slice %arg6[%dma_start3A_155, %dma_start3A_156] : memref<800x128xf32, #tpu.memory_space<vmem>> -> memref<200x128xf32, #tpu.memory_space<vmem>>
    tpu.enqueue_dma source(%dma_start3A_157 : memref<200x128xf32, #tpu.memory_space<vmem>>) target(%dma_start3A_154 : memref<200x128xf32, #tpu.memory_space<hbm>>) target_semaphore(%arg13 : memref<!tpu.dma_semaphore, #tpu.memory_space<semaphore_mem>>)
    %dma_wait3A_158 = arith.constant 0 : i32
    %dma_wait3A_159 = arith.constant 0 : i32
    %dma_wait3A_160 = tpu.memref_slice %arg6[%dma_wait3A_158, %dma_wait3A_159] : memref<800x128xf32, #tpu.memory_space<vmem>> -> memref<200x128xf32, #tpu.memory_space<vmem>>
    %dma_wait3A_161 = arith.constant 0 : i32
    %dma_wait3A_162 = tpu.memref_slice %arg5[%dma_wait3A_161] : memref<25600xi32, #tpu.memory_space<vmem>> -> memref<200xi32, #tpu.memory_space<vmem>>
    %dma_wait3A_163 = arith.constant 0 : i32
    %dma_wait3A_164 = arith.constant 0 : i32
    %dma_wait3A_165 = tpu.memref_slice %arg2[%dma_wait3A_163, %dma_wait3A_164] : memref<1000000x128xf32, #tpu.memory_space<hbm>> -> memref<1000000x128xf32, #tpu.memory_space<hbm>>
    tpu.wait_indirect_dma semaphore(%arg10 : memref<!tpu.dma_semaphore, #tpu.memory_space<semaphore_mem>>) src(%dma_wait3A_165 : memref<1000000x128xf32, #tpu.memory_space<hbm>>) dst(%dma_wait3A_160 : memref<200x128xf32, #tpu.memory_space<vmem>>)
    %add3A_166 = arith.constant 127 : i32
    %add3A_167 = arith.addi %mul3A_2, %add3A_166 : i32
    %dma_start3A_168 = arith.constant 600 : i32
    %dma_start3A_169 = arith.constant 0 : i32
    %dma_start3A_170 = tpu.memref_slice %arg6[%dma_start3A_168, %dma_start3A_169] : memref<800x128xf32, #tpu.memory_space<vmem>> -> memref<200x128xf32, #tpu.memory_space<vmem>>
    %dma_start3A_171 = arith.constant 0 : i32
    %dma_start3A_172 = arith.constant 0 : i32
    %dma_start3A_173 = tpu.memref_slice %arg4[%add3A_167, %dma_start3A_171, %dma_start3A_172] : memref<4096x200x128xf32, #tpu.memory_space<hbm>> -> memref<1x200x128xf32, #tpu.memory_space<hbm>>
    %dma_start3A_174 = tpu.memref_squeeze %dma_start3A_173 : memref<1x200x128xf32, #tpu.memory_space<hbm>> -> memref<200x128xf32, #tpu.memory_space<hbm>>
    %dma_start3A_175 = arith.constant 0 : i32
    %dma_start3A_176 = arith.constant 0 : i32
    %dma_start3A_177 = tpu.memref_slice %dma_start3A_174[%dma_start3A_175, %dma_start3A_176] : memref<200x128xf32, #tpu.memory_space<hbm>> -> memref<200x128xf32, #tpu.memory_space<hbm>>
    %dma_start3A_178 = arith.constant 0 : i32
    %dma_start3A_179 = arith.constant 0 : i32
    %dma_start3A_180 = tpu.memref_slice %arg4[%add3A_167, %dma_start3A_178, %dma_start3A_179] : memref<4096x200x128xf32, #tpu.memory_space<hbm>> -> memref<1x200x128xf32, #tpu.memory_space<hbm>>
    %dma_start3A_181 = tpu.memref_squeeze %dma_start3A_180 : memref<1x200x128xf32, #tpu.memory_space<hbm>> -> memref<200x128xf32, #tpu.memory_space<hbm>>
    %dma_start3A_182 = arith.constant 0 : i32
    %dma_start3A_183 = arith.constant 0 : i32
    %dma_start3A_184 = tpu.memref_slice %dma_start3A_181[%dma_start3A_182, %dma_start3A_183] : memref<200x128xf32, #tpu.memory_space<hbm>> -> memref<200x128xf32, #tpu.memory_space<hbm>>
    %dma_start3A_185 = arith.constant 600 : i32
    %dma_start3A_186 = arith.constant 0 : i32
    %dma_start3A_187 = tpu.memref_slice %arg6[%dma_start3A_185, %dma_start3A_186] : memref<800x128xf32, #tpu.memory_space<vmem>> -> memref<200x128xf32, #tpu.memory_space<vmem>>
    tpu.enqueue_dma source(%dma_start3A_187 : memref<200x128xf32, #tpu.memory_space<vmem>>) target(%dma_start3A_184 : memref<200x128xf32, #tpu.memory_space<hbm>>) target_semaphore(%arg14 : memref<!tpu.dma_semaphore, #tpu.memory_space<semaphore_mem>>)
    %dma_wait3A_188 = arith.constant 0 : i32
    %dma_wait3A_189 = arith.constant 0 : i32
    %dma_wait3A_190 = tpu.memref_slice %arg6[%dma_wait3A_188, %dma_wait3A_189] : memref<800x128xf32, #tpu.memory_space<vmem>> -> memref<200x128xf32, #tpu.memory_space<vmem>>
    %dma_wait3A_191 = arith.constant 0 : i32
    %dma_wait3A_192 = arith.constant 0 : i32
    %dma_wait3A_193 = tpu.memref_slice %arg4[%mul3A_2, %dma_wait3A_191, %dma_wait3A_192] : memref<4096x200x128xf32, #tpu.memory_space<hbm>> -> memref<1x200x128xf32, #tpu.memory_space<hbm>>
    %dma_wait3A_194 = tpu.memref_squeeze %dma_wait3A_193 : memref<1x200x128xf32, #tpu.memory_space<hbm>> -> memref<200x128xf32, #tpu.memory_space<hbm>>
    %dma_wait3A_195 = arith.constant 0 : i32
    %dma_wait3A_196 = arith.constant 0 : i32
    %dma_wait3A_197 = tpu.memref_slice %dma_wait3A_194[%dma_wait3A_195, %dma_wait3A_196] : memref<200x128xf32, #tpu.memory_space<hbm>> -> memref<200x128xf32, #tpu.memory_space<hbm>>
    %dma_wait3A_198 = arith.constant 0 : i32
    %dma_wait3A_199 = arith.constant 0 : i32
    %dma_wait3A_200 = tpu.memref_slice %arg4[%mul3A_2, %dma_wait3A_198, %dma_wait3A_199] : memref<4096x200x128xf32, #tpu.memory_space<hbm>> -> memref<1x200x128xf32, #tpu.memory_space<hbm>>
    %dma_wait3A_201 = tpu.memref_squeeze %dma_wait3A_200 : memref<1x200x128xf32, #tpu.memory_space<hbm>> -> memref<200x128xf32, #tpu.memory_space<hbm>>
    %dma_wait3A_202 = arith.constant 0 : i32
    %dma_wait3A_203 = arith.constant 0 : i32
    %dma_wait3A_204 = tpu.memref_slice %dma_wait3A_201[%dma_wait3A_202, %dma_wait3A_203] : memref<200x128xf32, #tpu.memory_space<hbm>> -> memref<200x128xf32, #tpu.memory_space<hbm>>
    %dma_wait3A_205 = arith.constant 0 : i32
    %dma_wait3A_206 = arith.constant 0 : i32
    %dma_wait3A_207 = tpu.memref_slice %arg6[%dma_wait3A_205, %dma_wait3A_206] : memref<800x128xf32, #tpu.memory_space<vmem>> -> memref<200x128xf32, #tpu.memory_space<vmem>>
    tpu.wait_dma2 semaphore(%arg11 : memref<!tpu.dma_semaphore, #tpu.memory_space<semaphore_mem>>) src(%dma_wait3A_207 : memref<200x128xf32, #tpu.memory_space<vmem>>) dst(%dma_wait3A_204 : memref<200x128xf32, #tpu.memory_space<hbm>>)
    %dma_wait3A_208 = arith.constant 0 : i32
    %dma_wait3A_209 = arith.constant 0 : i32
    %dma_wait3A_210 = tpu.memref_slice %arg6[%dma_wait3A_208, %dma_wait3A_209] : memref<800x128xf32, #tpu.memory_space<vmem>> -> memref<200x128xf32, #tpu.memory_space<vmem>>
    %dma_wait3A_211 = arith.constant 0 : i32
    %dma_wait3A_212 = arith.constant 0 : i32
    %dma_wait3A_213 = tpu.memref_slice %arg4[%mul3A_2, %dma_wait3A_211, %dma_wait3A_212] : memref<4096x200x128xf32, #tpu.memory_space<hbm>> -> memref<1x200x128xf32, #tpu.memory_space<hbm>>
    %dma_wait3A_214 = tpu.memref_squeeze %dma_wait3A_213 : memref<1x200x128xf32, #tpu.memory_space<hbm>> -> memref<200x128xf32, #tpu.memory_space<hbm>>
    %dma_wait3A_215 = arith.constant 0 : i32
    %dma_wait3A_216 = arith.constant 0 : i32
    %dma_wait3A_217 = tpu.memref_slice %dma_wait3A_214[%dma_wait3A_215, %dma_wait3A_216] : memref<200x128xf32, #tpu.memory_space<hbm>> -> memref<200x128xf32, #tpu.memory_space<hbm>>
    %dma_wait3A_218 = arith.constant 0 : i32
    %dma_wait3A_219 = arith.constant 0 : i32
    %dma_wait3A_220 = tpu.memref_slice %arg4[%mul3A_2, %dma_wait3A_218, %dma_wait3A_219] : memref<4096x200x128xf32, #tpu.memory_space<hbm>> -> memref<1x200x128xf32, #tpu.memory_space<hbm>>
    %dma_wait3A_221 = tpu.memref_squeeze %dma_wait3A_220 : memref<1x200x128xf32, #tpu.memory_space<hbm>> -> memref<200x128xf32, #tpu.memory_space<hbm>>
    %dma_wait3A_222 = arith.constant 0 : i32
    %dma_wait3A_223 = arith.constant 0 : i32
    %dma_wait3A_224 = tpu.memref_slice %dma_wait3A_221[%dma_wait3A_222, %dma_wait3A_223] : memref<200x128xf32, #tpu.memory_space<hbm>> -> memref<200x128xf32, #tpu.memory_space<hbm>>
    %dma_wait3A_225 = arith.constant 0 : i32
    %dma_wait3A_226 = arith.constant 0 : i32
    %dma_wait3A_227 = tpu.memref_slice %arg6[%dma_wait3A_225, %dma_wait3A_226] : memref<800x128xf32, #tpu.memory_space<vmem>> -> memref<200x128xf32, #tpu.memory_space<vmem>>
    tpu.wait_dma2 semaphore(%arg12 : memref<!tpu.dma_semaphore, #tpu.memory_space<semaphore_mem>>) src(%dma_wait3A_227 : memref<200x128xf32, #tpu.memory_space<vmem>>) dst(%dma_wait3A_224 : memref<200x128xf32, #tpu.memory_space<hbm>>)
    %dma_wait3A_228 = arith.constant 0 : i32
    %dma_wait3A_229 = arith.constant 0 : i32
    %dma_wait3A_230 = tpu.memref_slice %arg6[%dma_wait3A_228, %dma_wait3A_229] : memref<800x128xf32, #tpu.memory_space<vmem>> -> memref<200x128xf32, #tpu.memory_space<vmem>>
    %dma_wait3A_231 = arith.constant 0 : i32
    %dma_wait3A_232 = arith.constant 0 : i32
    %dma_wait3A_233 = tpu.memref_slice %arg4[%mul3A_2, %dma_wait3A_231, %dma_wait3A_232] : memref<4096x200x128xf32, #tpu.memory_space<hbm>> -> memref<1x200x128xf32, #tpu.memory_space<hbm>>
    %dma_wait3A_234 = tpu.memref_squeeze %dma_wait3A_233 : memref<1x200x128xf32, #tpu.memory_space<hbm>> -> memref<200x128xf32, #tpu.memory_space<hbm>>
    %dma_wait3A_235 = arith.constant 0 : i32
    %dma_wait3A_236 = arith.constant 0 : i32
    %dma_wait3A_237 = tpu.memref_slice %dma_wait3A_234[%dma_wait3A_235, %dma_wait3A_236] : memref<200x128xf32, #tpu.memory_space<hbm>> -> memref<200x128xf32, #tpu.memory_space<hbm>>
    %dma_wait3A_238 = arith.constant 0 : i32
    %dma_wait3A_239 = arith.constant 0 : i32
    %dma_wait3A_240 = tpu.memref_slice %arg4[%mul3A_2, %dma_wait3A_238, %dma_wait3A_239] : memref<4096x200x128xf32, #tpu.memory_space<hbm>> -> memref<1x200x128xf32, #tpu.memory_space<hbm>>
    %dma_wait3A_241 = tpu.memref_squeeze %dma_wait3A_240 : memref<1x200x128xf32, #tpu.memory_space<hbm>> -> memref<200x128xf32, #tpu.memory_space<hbm>>
    %dma_wait3A_242 = arith.constant 0 : i32
    %dma_wait3A_243 = arith.constant 0 : i32
    %dma_wait3A_244 = tpu.memref_slice %dma_wait3A_241[%dma_wait3A_242, %dma_wait3A_243] : memref<200x128xf32, #tpu.memory_space<hbm>> -> memref<200x128xf32, #tpu.memory_space<hbm>>
    %dma_wait3A_245 = arith.constant 0 : i32
    %dma_wait3A_246 = arith.constant 0 : i32
    %dma_wait3A_247 = tpu.memref_slice %arg6[%dma_wait3A_245, %dma_wait3A_246] : memref<800x128xf32, #tpu.memory_space<vmem>> -> memref<200x128xf32, #tpu.memory_space<vmem>>
    tpu.wait_dma2 semaphore(%arg13 : memref<!tpu.dma_semaphore, #tpu.memory_space<semaphore_mem>>) src(%dma_wait3A_247 : memref<200x128xf32, #tpu.memory_space<vmem>>) dst(%dma_wait3A_244 : memref<200x128xf32, #tpu.memory_space<hbm>>)
    %dma_wait3A_248 = arith.constant 0 : i32
    %dma_wait3A_249 = arith.constant 0 : i32
    %dma_wait3A_250 = tpu.memref_slice %arg6[%dma_wait3A_248, %dma_wait3A_249] : memref<800x128xf32, #tpu.memory_space<vmem>> -> memref<200x128xf32, #tpu.memory_space<vmem>>
    %dma_wait3A_251 = arith.constant 0 : i32
    %dma_wait3A_252 = arith.constant 0 : i32
    %dma_wait3A_253 = tpu.memref_slice %arg4[%mul3A_2, %dma_wait3A_251, %dma_wait3A_252] : memref<4096x200x128xf32, #tpu.memory_space<hbm>> -> memref<1x200x128xf32, #tpu.memory_space<hbm>>
    %dma_wait3A_254 = tpu.memref_squeeze %dma_wait3A_253 : memref<1x200x128xf32, #tpu.memory_space<hbm>> -> memref<200x128xf32, #tpu.memory_space<hbm>>
    %dma_wait3A_255 = arith.constant 0 : i32
    %dma_wait3A_256 = arith.constant 0 : i32
    %dma_wait3A_257 = tpu.memref_slice %dma_wait3A_254[%dma_wait3A_255, %dma_wait3A_256] : memref<200x128xf32, #tpu.memory_space<hbm>> -> memref<200x128xf32, #tpu.memory_space<hbm>>
    %dma_wait3A_258 = arith.constant 0 : i32
    %dma_wait3A_259 = arith.constant 0 : i32
    %dma_wait3A_260 = tpu.memref_slice %arg4[%mul3A_2, %dma_wait3A_258, %dma_wait3A_259] : memref<4096x200x128xf32, #tpu.memory_space<hbm>> -> memref<1x200x128xf32, #tpu.memory_space<hbm>>
    %dma_wait3A_261 = tpu.memref_squeeze %dma_wait3A_260 : memref<1x200x128xf32, #tpu.memory_space<hbm>> -> memref<200x128xf32, #tpu.memory_space<hbm>>
    %dma_wait3A_262 = arith.constant 0 : i32
    %dma_wait3A_263 = arith.constant 0 : i32
    %dma_wait3A_264 = tpu.memref_slice %dma_wait3A_261[%dma_wait3A_262, %dma_wait3A_263] : memref<200x128xf32, #tpu.memory_space<hbm>> -> memref<200x128xf32, #tpu.memory_space<hbm>>
    %dma_wait3A_265 = arith.constant 0 : i32
    %dma_wait3A_266 = arith.constant 0 : i32
    %dma_wait3A_267 = tpu.memref_slice %arg6[%dma_wait3A_265, %dma_wait3A_266] : memref<800x128xf32, #tpu.memory_space<vmem>> -> memref<200x128xf32, #tpu.memory_space<vmem>>
    tpu.wait_dma2 semaphore(%arg14 : memref<!tpu.dma_semaphore, #tpu.memory_space<semaphore_mem>>) src(%dma_wait3A_267 : memref<200x128xf32, #tpu.memory_space<vmem>>) dst(%dma_wait3A_264 : memref<200x128xf32, #tpu.memory_space<hbm>>)
    return
  }
}

module attributes {stable_mosaic.version = 14 : i64} {
  func.func @body(%arg0: i32, %arg1: memref<64x16384xf32, #tpu.memory_space<vmem>>, %arg2: memref<16384x128xf32, #tpu.memory_space<vmem>>) attributes {dimension_semantics = [#tpu.dimension_semantics<arbitrary>], iteration_bounds = array<i64: 62>, scalar_prefetch = 0 : i64, scratch_operands = 0 : i64, tpu.core_type = #tpu.core_type<tc>, window_params = [{transform_indices = @transform_0, window_bounds = array<i64: 64, 16384>}, {transform_indices = @transform_1, window_bounds = array<i64: 16384, 128>}]} {
    %get3A = arith.constant 0 : index
    %get3A_0 = arith.constant 0 : index
    %get3A_1 = vector.load %arg1[%get3A, %get3A_0] : memref<64x16384xf32, #tpu.memory_space<vmem>>, vector<64x16384xf32>
    %transpose3A = tpu.transpose %get3A_1, [1, 0] : vector<64x16384xf32> -> vector<16384x64xf32>
    %broadcast_in_dim3A = arith.constant 0.000000e+00 : f32
    %broadcast_in_dim3A_2 = vector.broadcast %broadcast_in_dim3A : f32 to vector<16384x64xf32>
    %concatenate3A = tpu.concatenate %transpose3A, %broadcast_in_dim3A_2 in 1 : vector<16384x64xf32>, vector<16384x64xf32> -> vector<16384x128xf32>
    %swap3A = arith.constant 0 : index
    %swap3A_3 = arith.constant 0 : index
    %swap3A_4 = vector.load %arg2[%swap3A, %swap3A_3] : memref<16384x128xf32, #tpu.memory_space<vmem>>, vector<16384x128xf32>
    tpu.vector_store %arg2[%swap3A, %swap3A_3], %concatenate3A {strides = array<i32>} : memref<16384x128xf32, #tpu.memory_space<vmem>>, vector<16384x128xf32>,
    return
  }
  func.func @transform_0(%arg0: i32) -> (i32, i32) {
    %c0_i32 = arith.constant 0 : i32
    %c0_i32_0 = arith.constant 0 : i32
    return %c0_i32, %arg0 : i32, i32
  }
  func.func @transform_1(%arg0: i32) -> (i32, i32) {
    %c0_i32 = arith.constant 0 : i32
    %c0_i32_0 = arith.constant 0 : i32
    return %arg0, %c0_i32 : i32, i32
  }
}

</mosaic_0001>

<sc_bundles>
// kernel: kernel.4.cloned.1.call-start
scs
__scs_entry_jumppad:
0x0: {  	(pc) =	sbr.rel $0x88, $3  }
0x1: {  	(tag) =	ssettag $0x0;
	lr =	simm.s32 $0x1  }
0x2: {  	[smem:$0x3F9F] =	sst lr;
	_ =	strace $0xD0000000  }
0x3: {  	_ = 	snop  }
0x4: {  	_ = 	snop  }
0x5: {  	_ = 	snop  }
0x6: {  	_ = 	snop  }
0x7: {  	_ = 	snop  }
__scs_overlays_trampoline_lowered:
0x8: {  	[smem:$0x3FAE] =	sst s0  }
0x9: {  	[smem:$0x3FAF] =	sst s1  }
0xa: {  	[smem:$0x3FB0] =	sst s2  }
0xb: {  	[smem:$0x3FB1] =	sst s3  }
0xc: {  	[smem:$0x3FB2] =	sst s4  }
0xd: {  	[smem:$0x3FB3] =	sst s5  }
0xe: {  	[smem:$0x3FB4] =	sst s6  }
0xf: {  	[smem:$0x3FB5] =	sst s7  }
0x10: {  	[smem:$0x3FB6] =	sst s8  }
0x11: {  	[smem:$0x3FB7] =	sst s9;
	s0 =	simm.s32 @!p0 $0x0  }
0x12: {  	s1 =	sld [smem:$0x3F9D];
	s0 =	simm.s32 @p0 $0x1  }
0x13: {  	[smem:$0x3FB8] =	sst s0;
	s0 =	simm.s32 @!p1 $0x0  }
0x14: {  	s2 =	sld [smem:$0x3F9C];
	s0 =	simm.s32 @p1 $0x1  }
0x15: {  	[smem:$0x3FB9] =	sst s0;
	s0 =	simm.s32 @!p2 $0x0  }
0x16: {  	s3 =	sld [smem:$0x3FDB];
	s0 =	simm.s32 @p2 $0x1  }
0x17: {  	s4 =	simm.s32 $0x1BF5;
	[smem:$0x3FBB] =	sst s0  }
0x18: {  	s0 =	sld [smem:$0x3F9E];
	_ =	swait.ge [sflag:s4], $0x0  }
0x19: {  	s7 =	sld [smem:$0x3F9F]  }
0x1a: {  	s8 =	sadd.s32 $0xFFFFE003, lr  }
0x1b: {  	s9 =	sadd.s32 $0xFFFFFEF7, lr;
	s5 =	simm.s32 $0xFFFFFFFF;
	p2 =	slt.u32 s8, $0xFFFFF086  }
0x1c: {  	p1 =	slt.u32 s9, $0xF7A;
	s5 =	simm.s32 @!p2 $0x0  }
0x1d: {  	s5 =	simm.s32 @p1 $0x1;
	p0 =	seq.s32 s7, s2  }
0x1e: {  	s7 =	smul.u32 @!p0 $0xF7A, s2;
	p2 =	seq.s32 @!p0 s5, $0x0  }
0x1f: {  	s9 =	smul.u32 $0xF7A, s1;
	s8 =	simm.s32 @!p0 $0x1BF5;
	p2 =	por !p2, p0  }
0x20: {  	[sflag:s8] =	ssyncset.s32 @!p0 $0xFFFFF086;
	s6 =	sadd.s32 @!p0 s3, s7;
	s7 =	simm.s32 @!p0 $0x108  }
0x21: {  	s3 =	sadd.s32 s3, s9;
	s6 =	sadd.s32 @!p0 $0x88, s6;
	s7 =	simm.s32 @p2 $0x1082  }
0x22: {  	[simem:s7], [sflag:s8] =	dma.local @!p0 [hbm:s6], $0xF7A  }
0x23: {  	s9 =	sor.u32 $0xD0000000, s2;
	s6 =	simm.s32 $0x108;
	_ =	swait.ge @!p0 [sflag:s8], $0x0  }
0x24: {  	s3 =	sadd.s32 $0x88, s3;
	s6 =	simm.s32 @!p1 $0x1082;
	[sflag:s4] =	ssyncset.s32 $0xFFFFF086  }
0x25: {  	[simem:s6], [sflag:s4] =	dma.local [hbm:s3], $0xF7A  }
0x26: {  	[smem:$0x3F9F] =	sst s1;
	(tag) =	ssettag s2;
	_ =	strace s9  }
0x27: {  	s1 =	sld [smem:$0x3FAF]  }
0x28: {  	s2 =	sld [smem:$0x3FB0]  }
0x29: {  	s4 =	sld [smem:$0x3FB2]  }
0x2a: {  	p0 =	seq.s32 s5, $0x0;
	s5 =	sld [smem:$0x3FB3]  }
0x2b: {  	s6 =	sld [smem:$0x3FB4]  }
0x2c: {  	s7 =	sld [smem:$0x3FB5]  }
0x2d: {  	s3 =	simm.s32 $0x108;
	s8 =	sld [smem:$0x3FB6]  }
0x2e: {  	s3 =	simm.s32 @!p0 $0x1082;
	s9 =	sld [smem:$0x3FB7]  }
0x2f: {  	lr =	sadd.s32 s0, s3;
	s0 =	sld [smem:$0x3FAE]  }
0x30: {  	s3 =	sld [smem:$0x3FB1]  }
0x31: {  	[smem:$0x3FBA] =	sst s10  }
0x32: {  	s10 =	sld [smem:$0x3FB8];
	_ =	sdelay $0x3  }
0x33: {  	p0 =	seq.s32 s10, $0x1;
	s10 =	sld [smem:$0x3FBA];
	_ =	sdelay $0x3  }
0x34: {  	[smem:$0x3FBA] =	sst s10  }
0x35: {  	s10 =	sld [smem:$0x3FB9];
	_ =	sdelay $0x3  }
0x36: {  	p1 =	seq.s32 s10, $0x1;
	s10 =	sld [smem:$0x3FBA];
	_ =	sdelay $0x3  }
0x37: {  	[smem:$0x3FBA] =	sst s10  }
0x38: {  	s10 =	sld [smem:$0x3FBB]  }
0x39: {  	_ = 	snop;
	(pc) =	sbr.ind lr, $3  }
0x3a: {  	_ = 	snop  }
0x3b: {  	_ = 	snop  }
0x3c: {  	p2 =	seq.s32 s10, $0x1;
	s10 =	sld [smem:$0x3FBA]  }
0x3d: {  	_ =	shalt  }
0x3e: {  	_ =	shalt  }
0x3f: {  	_ =	shalt  }
0x40: {  	_ =	shalt  }
0x41: {  	_ =	shalt  }
0x42: {  	_ =	shalt  }
0x43: {  	_ =	shalt  }
0x44: {  	_ =	shalt  }
0x45: {  	_ =	shalt  }
0x46: {  	_ =	shalt  }
0x47: {  	_ =	shalt  }
0x48: {  	_ =	shalt  }
0x49: {  	_ =	shalt  }
0x4a: {  	_ =	shalt  }
0x4b: {  	_ =	shalt  }
0x4c: {  	_ =	shalt  }
0x4d: {  	_ =	shalt  }
0x4e: {  	_ =	shalt  }
0x4f: {  	_ =	shalt  }
0x50: {  	_ =	shalt  }
0x51: {  	_ =	shalt  }
0x52: {  	_ =	shalt  }
0x53: {  	_ =	shalt  }
0x54: {  	_ =	shalt  }
0x55: {  	_ =	shalt  }
0x56: {  	_ =	shalt  }
0x57: {  	_ =	shalt  }
0x58: {  	_ =	shalt  }
0x59: {  	_ =	shalt  }
0x5a: {  	_ =	shalt  }
0x5b: {  	_ =	shalt  }
0x5c: {  	_ =	shalt  }
0x5d: {  	_ =	shalt  }
0x5e: {  	_ =	shalt  }
0x5f: {  	_ =	shalt  }
0x60: {  	_ =	shalt  }
0x61: {  	_ =	shalt  }
0x62: {  	_ =	shalt  }
0x63: {  	_ =	shalt  }
0x64: {  	_ =	shalt  }
0x65: {  	_ =	shalt  }
0x66: {  	_ =	shalt  }
0x67: {  	_ =	shalt  }
0x68: {  	_ =	shalt  }
0x69: {  	_ =	shalt  }
0x6a: {  	_ =	shalt  }
0x6b: {  	_ =	shalt  }
0x6c: {  	_ =	shalt  }
0x6d: {  	_ =	shalt  }
0x6e: {  	_ =	shalt  }
0x6f: {  	_ =	shalt  }
0x70: {  	_ =	shalt  }
0x71: {  	_ =	shalt  }
0x72: {  	_ =	shalt  }
0x73: {  	_ =	shalt  }
0x74: {  	_ =	shalt  }
0x75: {  	_ =	shalt  }
0x76: {  	_ =	shalt  }
0x77: {  	_ =	shalt  }
0x78: {  	_ =	shalt  }
0x79: {  	_ =	shalt  }
0x7a: {  	_ =	shalt  }
0x7b: {  	_ =	shalt  }
0x7c: {  	_ =	shalt  }
0x7d: {  	_ =	shalt  }
0x7e: {  	_ =	shalt  }
0x7f: {  	_ =	shalt  }
0x80: {  	_ =	shalt  }
0x81: {  	_ =	shalt  }
0x82: {  	_ =	shalt  }
0x83: {  	_ =	shalt  }
0x84: {  	_ =	shalt  }
0x85: {  	_ =	shalt  }
0x86: {  	_ =	shalt  }
0x87: {  	_ =	shalt  }
.Lfunc_end0:
.L_simem_size_0:
called_computation.1_lowered:
.L_overlay_start_0:
0x88: {  	s2 =	sld [smem:$0x3FD9]  }
0x89: {  	s3 =	sld [smem:$0x3FFE];
	_ =	sdelay $0x1  }
0x8a: {  	s1 =	srdreg.scid  }
0x8b: {  	s0 =	sand.u32 $0x1, s1  }
0x8c: {  	s17 =	sshll.u32 s0, $0xA;
	s2 =	sadd.s32 s3, s2  }
0x8d: {  	s2 =	sadd.s32 s2, s17  }
0x8e: {  	[smem:$0x3FC6] =	sst s2  }
0x8f: {  	_ = 	snop  }
0x90: {  	s2 =	sld [smem:$0x3FD0];
	(tm) =	ssettm $0x1  }
0x91: {  	s18 =	sld [smem:$0x3FFB];
	_ =	sdelay $0x3  }
0x92: {  	_ =	strace s18  }
0x93: {  	s3 =	sld [smem:$0x3FFC];
	_ =	sdelay $0x3  }
0x94: {  	_ =	strace s3  }
0x95: {  	s3 =	sld [smem:$0x3FFD];
	_ =	sdelay $0x3  }
0x96: {  	_ =	strace s3  }
0x97: {  	_ =	strace $0x8FFFFFFF  }
0x98: {  	s19 =	sld [smem:$0x3FDB];
	_ =	sdelay $0x1  }
0x99: {  	s4 =	simm.s32 $_scs_section_size  }
0x9a: {  	s5 =	simm.s32 $_size__tile_overlayer_lowered;
	s6 =	simm.s32 $_tile_overlayer_lowered  }
0x9b: {  	s22 =	simm.s32 $0x1BFF;
	s21 =	sshll.u32 s6, $0x1;
	s3 =	sadd.s32 s4, s19  }
0x9c: {  	s7 =	simm.s32 $0x0;
	s20 =	sshll.u32 s5, $0x1;
	s5 =	sadd.s32 s21, s3  }
0x9d: {  	[timem:s7], [sflag:s22] =	dma.local [hbm:s5], s20  }
0x9e: {  	_ =	swait.ge [sflag:s22], s20  }
0x9f: {  	s4 =	ssub.s32 $0x0, s20;
	[sflag:s22] =	ssyncset.done $0x0  }
0xa0: {  	[sflag:s22] =	ssyncadd.s32 s4;
	_ =	sdelay $0x1  }
0xa1: {  	s23 =	simm.s32 $0x1B8B  }
0xa2: {  	_ =	swait.ge [sflag:s23], $0x1  }
0xa3: {  	[sflag:s23] =	ssyncset.done $0x0  }
0xa4: {  	s25 =	simm.s32 $0x1B8E;
	s24 =	sld [smem:$0x3FFE];
	[sflag:s23] =	ssyncadd.s32 $0xFFFFFFFF  }
0xa5: {  	s26 =	simm.s32 $execute0_lowered;
	[smem:$0x3FD2] =	sst s25  }
0xa6: {  	s5 =	sshll.u32 s26, $0x1;
	_ =	strace $0x80000046;
	[dreg:$0x1] =	wrdreg $0xFFFFFFFF  }
0xa7: {  	s28 =	simm.s32 $_size_execute0_lowered;
	s3 =	sadd.s32 s3, s5;
	[dreg:$0x0] =	wrdreg $0x0  }
0xa8: {  	s5 =	sshll.u32 s28, $0x1;
	[dreg:$0x2] =	wrdreg s3  }
0xa9: {  	[dreg:$0x3] =	wrdreg s5  }
0xaa: {  	[dreg:$0x4] =	wrdreg $0xC0  }
0xab: {  	_ =	task [dreg:s7], $0x5FFFF  }
0xac: {  	[dreg:$0x1] =	wrdreg $0xFFFFFFFF  }
0xad: {  	[dreg:$0x0] =	wrdreg $0x60  }
0xae: {  	[dreg:$0x2] =	wrdreg s24  }
0xaf: {  	[dreg:$0x3] =	wrdreg s2  }
0xb0: {  	[dreg:$0x4] =	wrdreg $0x9  }
0xb1: {  	_ =	task.clear_ibuf [dreg:s7], $0x5FFFF;
	_ =	strace $0x90000046  }
0xb2: {  	s29 =	simm.s32 $0x9;
	_ =	strace $0x80000048  }
0xb3: {  	_ =	swait.ge [sflag:s29], $0x1  }
0xb4: {  	[sflag:s29] =	ssyncadd.s32 $0xFFFFFFFF  }
0xb5: {  	_ =	strace $0x90000048  }
0xb6: {  	_ =	sfence  }
0xb7: {  	s30 =	sld [smem:$0x0];
	_ =	sdelay $0x2  }
0xb8: {  	s31 =	sshll.u32 s1, $0xD;
	s1 =	sshrl.u32 s1, $0x2  }
0xb9: {  	s3 =	sand.u32 $0x4000, s31;
	s1 =	sadd.s32 s1, s30  }
0xba: {  	s0 =	sor.u32 s3, s0;
	s1 =	sshll.u32 s1, $0x11  }
0xbb: {  	s0 =	sor.u32 s1, s0  }
0xbc: {  	s0 =	sadd.s32 $0x8F2B, s0  }
0xbd: {  	[sflag:s0] =	ssyncadd.remote.s32 $0x1  }
0xbe: {  	_ =	sfence.sel $0xFFFF  }
0xbf: {  	[dreg:$0x0] =	wrdreg $0xFFFFFFFF;
	(pc) =	sbr.abs _section_cstart, $3  }
0xc0: {  	[dreg:$0x1] =	wrdreg $0xFFFFFFFF  }
0xc1: {  	_ =	task.clear_ibuf [dreg:s7], $0x2FFFF;
	_ =	strace $0x9FFFFFFF  }
0xc2: {  	(tm) =	ssettm $0x7FFFFFFF  }
0xc3: {  	_ =	shalt  }
tec
execute0_lowered:
.L_overlay_start_1:
0x0: {  	(tag) =	ssettag $0x1  }
0x1: {  	s0 =	rddreg [dreg:$0x0]  }
0x2: {  	s1 =	rddreg [dreg:$0x1]  }
0x3: {  	s3 =	srdreg.scid;
	s9 =	stileid.u32  }
0x4: {  	s2 =	simm.s32 $0x0;
	s13 =	simm.s32 $0x9;
	s14 =	simm.s32 $0xC8  }
0x5: {  	s15 =	simm.s32 $0x6400;
	s16 =	simm.s32 $0xC800;
	s18 =	simm.s32 $0x12C00  }
0x6: {  	s28 =	simm.s32 $0x7;
	s29 =	simm.s32 $0x8;
	s31 =	simm.s32 $0x0  }
0x7: {  	s6 =	sand.u32 $0x1, s3;
	s20 =	sshll.u32 s9, $0x1;
	[smem:$0x7FF] =	sst s2  }
0x8: {  	s3 =	sadd.s32 $0x800, s0;
	s4 =	sadd.s32 $0xF42C00, s0;
	s11 =	smul.u32 $0xC8000, s9  }
0x9: {  	s5 =	sor.u32 s6, s20;
	_ =	strace $0x80000047;
	s24 =	smul.u32 $0x64000, s6  }
0xa: {  	s7 =	ssub.s32 $0x2, s6;
	s20 =	simm.s32 $0x19000;
	s8 =	smul.u32 $0x320000, s5  }
0xb: {  	s21 =	sshrl.u32 s7, $0x1;
	s22 =	smul.u32 $0xC80, s5;
	s5 =	sshll.u32 s5, $0x7  }
0xc: {  	s30 =	sadd.s32 s11, s4;
	s0 =	ssub.s32 s7, s21;
	s8 =	sshrl.u32 s8, $0x3  }
0xd: {  	s12 =	sadd.s32 s24, s30;
	s1 =	sadd.s32 s1, s22;
	s10 =	sadd.s32 s4, s8  }
0xe: {  	s21 =	simm.s32 $0x1;
	[dreg:$0x3] =	wrdreg s1;
	s23 =	sadd.s32 $0x60E00, s10  }
0xf: {  	s24 =	simm.s32 $0x3;
	s25 =	sadd.s32 $0x61A80, s10;
	[dreg:$0x4] =	wrdreg s23  }
0x10: {  	s11 =	smax.u32 s0, $0x1;
	s26 =	sadd.s32 $0x62700, s10;
	[dreg:$0x5] =	wrdreg s25  }
0x11: {  	s22 =	simm.s32 $0x2;
	s10 =	sadd.s32 $0x63380, s10;
	[dreg:$0x6] =	wrdreg s26  }
0x12: {  	s23 =	simm.s32 $0x5;
	s25 =	simm.s32 $0x6;
	s26 =	simm.s32 $0x4  }
.LBB2_1:
0x13: {  	s0 =	rddreg [dreg:$0x3]  }
0x14: {  	[tilespmem:s2], [sflag:$0x9] =	stream.linear.gather [hbm4b:s0+s2], $0x6400, $0x38;
	[tilespmem:$0x1F400] =	vst v63  }
0x15: {  	_ =	swait.ge [sflag:s13], $0x6400  }
0x16: {  	[sflag:s13] =	ssyncset.done $0x0  }
0x17: {  	[sflag:s13] =	ssyncadd.s32 $0xFFFF9C00  }
0x18: {  	[tilespmem:s15], [sflag:$0x1] =	stream.indirect.gather [hbm4b:s3+s14], $0x80, s2, s14, $0xb8;
	[tilespmem:$0x1F400] =	vst v63  }
0x19: {  	s8 =	simm.s32 $0x190;
	p0 =	por $0x1, $0x1  }
0x1a: {  	[tilespmem:s16], [sflag:$0x2] =	stream.indirect.gather [hbm4b:s3+s14], $0x80, s14, s14, $0xb8;
	[tilespmem:$0x1F400] =	vst v63  }
0x1b: {  	s9 =	smul.u32 $0x320, s2;
	s1 =	simm.s32 $0x258;
	s17 =	simm.s32 @!p0 $0x8  }
0x1c: {  	[tilespmem:s18], [sflag:$0x3] =	stream.indirect.gather [hbm4b:s3+s14], $0x80, s8, s14, $0xb8;
	[tilespmem:$0x1F400] =	vst v63  }
0x1d: {  	s30 =	simm.s32 @!p0 $0xC8;
	s19 =	sadd.s32 $0x258, s9;
	s6 =	sadd.s32 $0xC8, s9  }
0x1e: {  	[tilespmem:s20], [sflag:$0x4] =	stream.indirect.gather [hbm4b:s3+s14], $0x80, s1, s14, $0xb8;
	[tilespmem:$0x1F400] =	vst v63  }
0x1f: {  	s0 =	sadd.s32 $0x190, s9;
	s6 =	sand.u32 $0xFFE8, s6;
	_ =	swait.ge [sflag:s21], $0x6400  }
0x20: {  	s0 =	sand.u32 $0xFFF0, s0;
	s6 =	sshrl.u32 s6, $0x3;
	[sflag:s21] =	ssyncset.done $0x0  }
0x21: {  	s0 =	sshrl.u32 s0, $0x3;
	s6 =	smul.u32 $0x147B, s6;
	[sflag:s21] =	ssyncadd.s32 $0xFFFF9C00  }
0x22: {  	[hbm4b:s12+s2] =	stream.linear.scatter [tilespmem:s15], [sflag:$0x5], $0x6400, $0x38;
	[tilespmem:$0x1F400] =	vst v63  }
0x23: {  	s0 =	smul.u32 $0x147B, s0;
	s6 =	sshrl.u32 s6, $0x11;
	_ =	swait.ge @!p0 [sflag:s17], $0x6400  }
0x24: {  	s6 =	sadd.s32 s6, s5;
	s1 =	sand.u32 $0xFFF8, s19;
	[sflag:s17] =	ssyncset.done @!p0 $0x0  }
0x25: {  	s19 =	simm.s32 @!p0 $0x258;
	[sflag:s17] =	ssyncadd.s32 @!p0 $0xFFFF9C00;
	s17 =	simm.s32 @!p0 $0x19000  }
0x26: {  	[tilespmem:s17], [sflag:$0x4] =	stream.indirect.gather @!p0 [hbm4b:s3+s30], $0x80, s19, s30, $0xb8;
	[tilespmem:$0x1F400] =	vst v63  }
0x27: {  	s6 =	smul.u32 $0xC80, s6;
	_ =	swait.ge [sflag:s22], $0x6400  }
0x28: {  	s0 =	sshrl.u32 s0, $0x11;
	[sflag:s22] =	ssyncset.done $0x0  }
0x29: {  	s6 =	sadd.s32 s4, s6;
	s17 =	simm.s32 $0x0;
	[sflag:s22] =	ssyncadd.s32 $0xFFFF9C00  }
0x2a: {  	[hbm4b:s6+s2] =	stream.linear.scatter [tilespmem:s16], [sflag:$0x6], $0x6400, $0x38;
	[tilespmem:$0x1F400] =	vst v63  }
0x2b: {  	s0 =	sadd.s32 s0, s5;
	s17 =	simm.s32 @p0 $0x0;
	_ =	swait.ge [sflag:s23], $0x6400  }
0x2c: {  	s1 =	sshrl.u32 s1, $0x3;
	s17 =	sshra.s32 s17, $0x2;
	[sflag:s23] =	ssyncset.done $0x0  }
0x2d: {  	s1 =	smul.u32 $0x147B, s1;
	s7 =	sadd.s32 $0x320, s17;
	[sflag:s23] =	ssyncadd.s32 $0xFFFF9C00  }
0x2e: {  	[tilespmem:s15], [sflag:$0x1] =	stream.indirect.gather [hbm4b:s3+s14], $0x80, s7, s14, $0xb8;
	[tilespmem:$0x1F400] =	vst v63  }
0x2f: {  	s8 =	smul.u32 $0xC80, s0;
	s1 =	sshrl.u32 s1, $0x11;
	_ =	swait.ge [sflag:s24], $0x6400  }
0x30: {  	s0 =	simm.s32 $0x1;
	s1 =	sadd.s32 s1, s5;
	[sflag:s24] =	ssyncset.done $0x0  }
0x31: {  	s9 =	sadd.s32 s4, s8;
	s19 =	smul.u32 $0xC80, s1;
	[sflag:s24] =	ssyncadd.s32 $0xFFFF9C00  }
0x32: {  	[hbm4b:s9+s2] =	stream.linear.scatter [tilespmem:s18], [sflag:$0x7], $0x6400, $0x38;
	[tilespmem:$0x1F400] =	vst v63  }
0x33: {  	s1 =	sadd.s32 $0x3200, s12;
	s30 =	sadd.s32 $0x4B0, s17;
	_ =	swait.ge [sflag:s25], $0x6400  }
0x34: {  	s6 =	sadd.s32 $0x3E8, s17;
	s17 =	simm.s32 $0xC80;
	[sflag:s25] =	ssyncset.done $0x0  }
.LBB2_2:
0x35: {  	s7 =	smul.u32 $0x320, s0;
	s0 =	sadd.s32 $0x1, s0;
	[sflag:s25] =	ssyncadd.s32 $0xFFFF9C00  }
0x36: {  	[tilespmem:s16], [sflag:$0x2] =	stream.indirect.gather [hbm4b:s3+s14], $0x80, s6, s14, $0xb8;
	[tilespmem:$0x1F400] =	vst v63  }
0x37: {  	s19 =	sadd.s32 s4, s19;
	s6 =	sadd.s32 $0x258, s7;
	_ =	swait.ge [sflag:s26], $0x6400  }
0x38: {  	p0 =	seq.s32 s17, $0x0;
	s8 =	sadd.s32 $0xC8, s7;
	[sflag:s26] =	ssyncset.done $0x0  }
0x39: {  	s8 =	sand.u32 $0xFFE8, s8;
	s6 =	sand.u32 $0xFFF8, s6;
	[sflag:s26] =	ssyncadd.s32 $0xFFFF9C00  }
0x3a: {  	[hbm4b:s19+s2] =	stream.linear.scatter [tilespmem:s20], [sflag:$0x8], $0x6400, $0x38;
	[tilespmem:$0x1F400] =	vst v63  }
0x3b: {  	s8 =	sshrl.u32 s8, $0x3;
	s19 =	simm.s32 @!p0 $0x8;
	_ =	swait.ge [sflag:s28], $0x6400  }
0x3c: {  	s9 =	sshra.s32 @!p0 s17, $0x2;
	s8 =	smul.u32 $0x147B, s8;
	[sflag:s28] =	ssyncset.done $0x0  }
0x3d: {  	s9 =	sadd.s32 @!p0 $0x258, s9;
	s6 =	sshrl.u32 s6, $0x3;
	[sflag:s28] =	ssyncadd.s32 $0xFFFF9C00  }
0x3e: {  	s7 =	sadd.s32 $0x190, s7;
	s6 =	smul.u32 $0x147B, s6;
	s8 =	sshrl.u32 s8, $0x11  }
0x3f: {  	[tilespmem:s18], [sflag:$0x3] =	stream.indirect.gather [hbm4b:s3+s14], $0x80, s30, s14, $0xb8;
	[tilespmem:$0x1F400] =	vst v63  }
0x40: {  	s7 =	sand.u32 $0xFFF0, s7;
	s8 =	sadd.s32 s8, s5;
	_ =	swait.ge [sflag:s21], $0x6400  }
0x41: {  	s7 =	sshrl.u32 s7, $0x3;
	s8 =	smul.u32 $0xC80, s8;
	[sflag:s21] =	ssyncset.done $0x0  }
0x42: {  	s7 =	smul.u32 $0x147B, s7;
	s6 =	sshrl.u32 s6, $0x11;
	[sflag:s21] =	ssyncadd.s32 $0xFFFF9C00  }
0x43: {  	[hbm4b:s1+s2] =	stream.linear.scatter [tilespmem:s15], [sflag:$0x5], $0x6400, $0x38;
	[tilespmem:$0x1F400] =	vst v63  }
0x44: {  	s7 =	sshrl.u32 s7, $0x11;
	s6 =	sadd.s32 s6, s5;
	_ =	swait.ge @!p0 [sflag:s19], $0x6400  }
0x45: {  	s7 =	sadd.s32 s7, s5;
	s30 =	simm.s32 @!p0 $0xC8;
	[sflag:s19] =	ssyncset.done @!p0 $0x0  }
0x46: {  	p1 =	sne.s32 s0, $0x1F;
	[sflag:s19] =	ssyncadd.s32 @!p0 $0xFFFF9C00;
	s19 =	simm.s32 @!p0 $0x19000  }
0x47: {  	[tilespmem:s19], [sflag:$0x4] =	stream.indirect.gather @!p0 [hbm4b:s3+s30], $0x80, s9, s30, $0xb8;
	[tilespmem:$0x1F400] =	vst v63  }
0x48: {  	s19 =	smul.u32 $0xC80, s6;
	s6 =	smov.u32 s17;
	_ =	swait.ge [sflag:s22], $0x6400  }
0x49: {  	s8 =	sadd.s32 s4, s8;
	s6 =	simm.s32 @p0 $0x0;
	[sflag:s22] =	ssyncset.done $0x0  }
0x4a: {  	s9 =	sshra.s32 s6, $0x2;
	[sflag:s22] =	ssyncadd.s32 $0xFFFF9C00  }
0x4b: {  	[hbm4b:s8+s2] =	stream.linear.scatter [tilespmem:s16], [sflag:$0x6], $0x6400, $0x38;
	[tilespmem:$0x1F400] =	vst v63  }
0x4c: {  	s6 =	sadd.s32 $0x3E8, s9;
	_ =	swait.ge [sflag:s23], $0x6400  }
0x4d: {  	s8 =	sadd.s32 $0x320, s9;
	[sflag:s23] =	ssyncset.done $0x0  }
0x4e: {  	s7 =	smul.u32 $0xC80, s7;
	[sflag:s23] =	ssyncadd.s32 $0xFFFF9C00  }
0x4f: {  	[tilespmem:s15], [sflag:$0x1] =	stream.indirect.gather [hbm4b:s3+s14], $0x80, s8, s14, $0xb8;
	[tilespmem:$0x1F400] =	vst v63  }
0x50: {  	_ =	swait.ge [sflag:s24], $0x6400  }
.Ltmp0:
0x51: {  	s7 =	sadd.s32 s4, s7;
	[sflag:s24] =	ssyncset.done $0x0;
	(pc) =	sbr.rel @p1 .LBB2_2-.Ltmp0, $4  }
0x52: {  	[sflag:s24] =	ssyncadd.s32 $0xFFFF9C00  }
0x53: {  	[hbm4b:s7+s2] =	stream.linear.scatter [tilespmem:s18], [sflag:$0x7], $0x6400, $0x38;
	[tilespmem:$0x1F400] =	vst v63  }
0x54: {  	s1 =	sadd.s32 $0x3200, s1;
	_ =	swait.ge [sflag:s25], $0x6400  }
0x55: {  	s17 =	sadd.s32 $0xC80, s17;
	s30 =	sadd.s32 $0x4B0, s9;
	[sflag:s25] =	ssyncset.done $0x0  }
0x56: {  	[sflag:s25] =	ssyncadd.s32 $0xFFFF9C00  }
0x57: {  	[tilespmem:s16], [sflag:$0x2] =	stream.indirect.gather [hbm4b:s3+s14], $0x80, s6, s14, $0xb8;
	[tilespmem:$0x1F400] =	vst v63  }
0x58: {  	_ =	swait.ge [sflag:s26], $0x6400  }
0x59: {  	[sflag:s26] =	ssyncset.done $0x0  }
0x5a: {  	s0 =	sadd.s32 s4, s19;
	[sflag:s26] =	ssyncadd.s32 $0xFFFF9C00  }
0x5b: {  	[hbm4b:s0+s2] =	stream.linear.scatter [tilespmem:s20], [sflag:$0x8], $0x6400, $0x38;
	[tilespmem:$0x1F400] =	vst v63  }
0x5c: {  	_ =	swait.ge [sflag:s28], $0x6400  }
0x5d: {  	[sflag:s28] =	ssyncset.done $0x0  }
0x5e: {  	[sflag:s28] =	ssyncadd.s32 $0xFFFF9C00  }
0x5f: {  	[tilespmem:s18], [sflag:$0x3] =	stream.indirect.gather [hbm4b:s3+s14], $0x80, s30, s14, $0xb8;
	[tilespmem:$0x1F400] =	vst v63  }
0x60: {  	_ =	swait.ge [sflag:s21], $0x6400  }
0x61: {  	[sflag:s21] =	ssyncset.done $0x0  }
0x62: {  	s9 =	rddreg [dreg:$0x4];
	[sflag:s21] =	ssyncadd.s32 $0xFFFF9C00  }
0x63: {  	[hbm4b:s9+s2] =	stream.linear.scatter [tilespmem:s15], [sflag:$0x5], $0x6400, $0x38;
	[tilespmem:$0x1F400] =	vst v63  }
0x64: {  	_ =	swait.ge [sflag:s29], $0x6400  }
0x65: {  	[sflag:s29] =	ssyncset.done $0x0  }
0x66: {  	s17 =	simm.s32 $0x6338;
	[sflag:s29] =	ssyncadd.s32 $0xFFFF9C00  }
0x67: {  	[tilespmem:s20], [sflag:$0x4] =	stream.indirect.gather [hbm4b:s3+s14], $0x80, s17, s14, $0xb8;
	[tilespmem:$0x1F400] =	vst v63  }
0x68: {  	_ =	swait.ge [sflag:s22], $0x6400  }
0x69: {  	[sflag:s22] =	ssyncset.done $0x0  }
0x6a: {  	s19 =	rddreg [dreg:$0x5];
	[sflag:s22] =	ssyncadd.s32 $0xFFFF9C00  }
0x6b: {  	[hbm4b:s19+s2] =	stream.linear.scatter [tilespmem:s16], [sflag:$0x6], $0x6400, $0x38;
	[tilespmem:$0x1F400] =	vst v63  }
0x6c: {  	_ =	swait.ge [sflag:s24], $0x6400  }
0x6d: {  	[sflag:s24] =	ssyncset.done $0x0  }
0x6e: {  	s30 =	rddreg [dreg:$0x6];
	[sflag:s24] =	ssyncadd.s32 $0xFFFF9C00  }
0x6f: {  	[hbm4b:s30+s2] =	stream.linear.scatter [tilespmem:s18], [sflag:$0x7], $0x6400, $0x38;
	[tilespmem:$0x1F400] =	vst v63  }
0x70: {  	_ =	swait.ge [sflag:s26], $0x6400  }
0x71: {  	[sflag:s26] =	ssyncset.done $0x0  }
0x72: {  	[sflag:s26] =	ssyncadd.s32 $0xFFFF9C00  }
0x73: {  	[hbm4b:s10+s2] =	stream.linear.scatter [tilespmem:s20], [sflag:$0x8], $0x6400, $0x38;
	[tilespmem:$0x1F400] =	vst v63  }
0x74: {  	_ =	swait.ge [sflag:s23], $0x6400  }
0x75: {  	[sflag:s23] =	ssyncset.done $0x0  }
0x76: {  	[sflag:s23] =	ssyncadd.s32 $0xFFFF9C00  }
0x77: {  	_ =	swait.ge [sflag:s25], $0x6400  }
0x78: {  	[sflag:s25] =	ssyncset.done $0x0  }
0x79: {  	s31 =	sadd.s32 $0x1, s31;
	[sflag:s25] =	ssyncadd.s32 $0xFFFF9C00  }
0x7a: {  	p0 =	sne.s32 s31, s11;
	_ =	swait.ge [sflag:s28], $0x6400  }
.Ltmp1:
0x7b: {  	[sflag:s28] =	ssyncset.done $0x0;
	(pc) =	sbr.rel @p0 .LBB2_1-.Ltmp1, $4  }
0x7c: {  	[sflag:s28] =	ssyncadd.s32 $0xFFFF9C00  }
0x7d: {  	_ =	swait.ge [sflag:s29], $0x6400  }
0x7e: {  	[sflag:s29] =	ssyncset.done $0x0  }
0x7f: {  	[sflag:s29] =	ssyncadd.s32 $0xFFFF9C00  }
0x80: {  	_ =	sfence.sel $0x180000  }
0x81: {  	[bflag:$0x0] =	sbarrier.arrive $0xFFFF  }
0x82: {  	_ =	strace $0x90000047  }
0x83: {  	s0 =	stileid.u32;
	[bflag:$0x2] =	sbarrier.arrive $0xFFFF  }
0x84: {  	p0 =	sne.s32 s0, $0x0;
	s0 =	rddreg [dreg:$0x2]  }
0x85: {  	s0 =	sadd.s32 @!p0 $0x100000, s0  }
0x86: {  	[sflag:s0] =	ssyncadd.tile.s32 @!p0 $0x1;
	_ =	shalt  }
.Lfunc_end2:
_tile_overlayer_lowered:
.L_overlay_start_2:
0x87: {  	(tag) =	ssettag $0x2  }
0x88: {  	s0 =	rddreg [dreg:$0x0];
	s2 =	stileid.u32  }
0x89: {  	s1 =	rddreg [dreg:$0x1];
	p0 =	sne.s32 s2, $0x0  }
0x8a: {  	s3 =	rddreg [dreg:$0x2];
	[bflag:$0x3] =	sbarrier.arrive $0xFFFF;
	s2 =	simm.s32 @!p0 $0x1C09  }
0x8b: {  	[timem:s3], [sflag:s2] =	dma.local @!p0 [hbm:s0], s1  }
0x8c: {  	s0 =	simm.s32 @!p0 $0x9  }
0x8d: {  	_ =	swait.ge @!p0 [sflag:s0], s1  }
0x8e: {  	s1 =	ssub.s32 @!p0 $0x0, s1;
	[sflag:s0] =	ssyncset.done @!p0 $0x0  }
0x8f: {  	[sflag:s0] =	ssyncadd.s32 @!p0 s1  }
0x90: {  	[bflag:$0x3] =	sbarrier.arrive $0xFFFF  }
0x91: {  	_ =	shalt  }

// kernel: sparse-core-data-format-call.cloned.1.call-start
scs
called_computation_lowered:
.L_overlay_start_0:
0x0: {  	s2 =	sld [smem:$0x3FD9]  }
0x1: {  	s3 =	sld [smem:$0x3FFE];
	_ =	sdelay $0x1  }
0x2: {  	s1 =	srdreg.scid  }
0x3: {  	s0 =	sand.u32 $0x1, s1  }
0x4: {  	s18 =	sshll.u32 s0, $0xA;
	s2 =	sadd.s32 s3, s2  }
0x5: {  	s2 =	sadd.s32 s2, s18  }
0x6: {  	[smem:$0x3FC6] =	sst s2  }
0x7: {  	_ = 	snop  }
0x8: {  	s2 =	sld [smem:$0x3FD0];
	(tm) =	ssettm $0x1  }
0x9: {  	s19 =	sld [smem:$0x3FFB];
	_ =	sdelay $0x3  }
0xa: {  	_ =	strace s19  }
0xb: {  	s3 =	sld [smem:$0x3FFC];
	_ =	sdelay $0x3  }
0xc: {  	_ =	strace s3  }
0xd: {  	s3 =	sld [smem:$0x3FFD];
	_ =	sdelay $0x3  }
0xe: {  	_ =	strace s3  }
0xf: {  	_ =	strace $0x8FFFFFFF  }
0x10: {  	s20 =	sld [smem:$0x3FDB];
	_ =	sdelay $0x1  }
0x11: {  	s4 =	simm.s32 $_scs_section_size  }
0x12: {  	s5 =	simm.s32 $_size__tile_overlayer_lowered;
	s6 =	simm.s32 $_tile_overlayer_lowered  }
0x13: {  	s23 =	simm.s32 $0x1BFF;
	s22 =	sshll.u32 s6, $0x1;
	s3 =	sadd.s32 s4, s20  }
0x14: {  	s7 =	simm.s32 $0x0;
	s21 =	sshll.u32 s5, $0x1;
	s5 =	sadd.s32 s22, s3  }
0x15: {  	[timem:s7], [sflag:s23] =	dma.local [hbm:s5], s21  }
0x16: {  	_ =	swait.ge [sflag:s23], s21  }
0x17: {  	s4 =	ssub.s32 $0x0, s21;
	[sflag:s23] =	ssyncset.done $0x0  }
0x18: {  	[sflag:s23] =	ssyncadd.s32 s4;
	_ =	sdelay $0x1  }
0x19: {  	s24 =	simm.s32 $0x1B8B  }
0x1a: {  	_ =	swait.ge [sflag:s24], $0x1  }
0x1b: {  	[sflag:s24] =	ssyncset.done $0x0  }
0x1c: {  	s26 =	simm.s32 $0x1B8E;
	s25 =	sld [smem:$0x3FFE];
	[sflag:s24] =	ssyncadd.s32 $0xFFFFFFFF  }
0x1d: {  	s27 =	simm.s32 $execute0_lowered;
	[smem:$0x3FD2] =	sst s26  }
0x1e: {  	s5 =	sshll.u32 s27, $0x1;
	_ =	strace $0x80000049;
	[dreg:$0x1] =	wrdreg $0xFFFFFFFF  }
0x1f: {  	s28 =	simm.s32 $_size_execute0_lowered;
	s3 =	sadd.s32 s3, s5;
	[dreg:$0x0] =	wrdreg $0x0  }
0x20: {  	s5 =	sshll.u32 s28, $0x1;
	[dreg:$0x2] =	wrdreg s3  }
0x21: {  	[dreg:$0x3] =	wrdreg s5  }
0x22: {  	[dreg:$0x4] =	wrdreg $0xC0  }
0x23: {  	_ =	task [dreg:s7], $0x5FFFF  }
0x24: {  	[dreg:$0x1] =	wrdreg $0xFFFFFFFF  }
0x25: {  	[dreg:$0x0] =	wrdreg $0x60  }
0x26: {  	[dreg:$0x2] =	wrdreg s25  }
0x27: {  	[dreg:$0x3] =	wrdreg s2  }
0x28: {  	[dreg:$0x4] =	wrdreg $0x9  }
0x29: {  	_ =	task.clear_ibuf [dreg:s7], $0x5FFFF;
	_ =	strace $0x90000049  }
0x2a: {  	s29 =	simm.s32 $0x9;
	_ =	strace $0x8000004B  }
0x2b: {  	_ =	swait.ge [sflag:s29], $0x1  }
0x2c: {  	[sflag:s29] =	ssyncadd.s32 $0xFFFFFFFF  }
0x2d: {  	_ =	strace $0x9000004B  }
0x2e: {  	_ =	sfence  }
0x2f: {  	s30 =	sld [smem:$0x0];
	_ =	sdelay $0x2  }
0x30: {  	s31 =	sshll.u32 s1, $0xD;
	s1 =	sshrl.u32 s1, $0x2  }
0x31: {  	s3 =	sand.u32 $0x4000, s31;
	s1 =	sadd.s32 s1, s30  }
0x32: {  	s0 =	sor.u32 s3, s0;
	s1 =	sshll.u32 s1, $0x11  }
0x33: {  	s0 =	sor.u32 s1, s0  }
0x34: {  	s0 =	sadd.s32 $0x8F2B, s0  }
0x35: {  	[sflag:s0] =	ssyncadd.remote.s32 $0x1  }
0x36: {  	_ =	sfence.sel $0xFFFF  }
0x37: {  	[dreg:$0x0] =	wrdreg $0xFFFFFFFF;
	(pc) =	sbr.abs _section_cstart, $3  }
0x38: {  	[dreg:$0x1] =	wrdreg $0xFFFFFFFF  }
0x39: {  	_ =	task.clear_ibuf [dreg:s7], $0x2FFFF;
	_ =	strace $0x9FFFFFFF  }
0x3a: {  	(tm) =	ssettm $0x7FFFFFFF  }
0x3b: {  	_ =	shalt  }
tec
execute0_lowered:
.L_overlay_start_1:
0x0: {  	(tag) =	ssettag $0x1  }
0x1: {  	s0 =	srdreg.scid  }
0x2: {  	s1 =	sshll.u32 s0, $0x4  }
0x3: {  	s0 =	stileid.u32;
	s1 =	sand.u32 $0x10, s1  }
0x4: {  	s1 =	sor.u32 s0, s1  }
0x5: {  	s6 =	rddreg [dreg:$0x0];
	s4 =	simm.s32 $0x1;
	s2 =	sshll.u32 s1, $0x7  }
0x6: {  	s7 =	simm.s32 $0x2;
	s12 =	simm.s32 $0x0;
	s1 =	ssub.s32 $0x1000, s2  }
0x7: {  	s8 =	simm.s32 $0x8000;
	s13 =	simm.s32 $0x0;
	s3 =	sand.u32 $0xF80, s1  }
0x8: {  	s9 =	simm.s32 $0x0;
	s5 =	sshrl.u32 s1, $0xC;
	p0 =	sne.s32 s3, $0x0  }
.Ltmp0:
0x9: {  	s1 =	rddreg [dreg:$0x2];
	s4 =	simm.s32 @!p0 $0x0;
	(pc) =	sbr.rel .LBB1_1-.Ltmp0, $4  }
0xa: {  	s11 =	simm.s32 $0x0;
	s3 =	rddreg [dreg:$0x1];
	s5 =	sadd.s32 s4, s5  }
0xb: {  	_ =	strace $0x8000004A;
	s4 =	simm.s32 $0x1;
	s5 =	smul.u32 $0xC8, s5  }
0xc: {  	s6 =	sadd.s32 $0xF42C00, s6;
	s10 =	smov.u32 s2;
	[sflag:s4] =	ssyncpa.u1 $0x0  }
0xd: {  	p0 =	por $0x0, $0x0;
	[sflag:s7] =	ssyncpa.u1 $0x0;
	s7 =	sor.u32 $0x1, s5  }
.LBB1_4:
0xe: {  	s16 =	sshll.u32 s13, $0x3;
	s17 =	sand.u32 $0x78, s13  }
0xf: {  	s30 =	sand.u32 $0x7E00, s13;
	s12 =	sshll.u32 s12, $0xF;
	s16 =	sand.u32 $0xC00, s16  }
0x10: {  	[tilespmem:s15+$0x810 ss:$0x81] =	vst.msk $0xffff, v2;
	s31 =	sand.u32 $0x7, s13;
	s16 =	sor.u32 s17, s16;
	s17 =	sadd.s32 s3, s30  }
0x11: {  	[tilespmem:s15+$0x1020 ss:$0x81] =	vst.msk $0xffff, v0;
	s13 =	sshll.u32 s31, $0x12;
	s12 =	sadd.s32 s12, s17;
	s16 =	sshrl.u32 s16, $0x3  }
0x12: {  	[tilespmem:s15+$0x0 ss:$0x81] =	vst.msk $0xffff, v1;
	s13 =	sor.u32 $0x400, s13;
	s12 =	sadd.s32 s16, s12  }
0x13: {  	[hbm4b:s12+s13] =	stream.strided.scatter [tilespmem:s14], [sflag:$0x2], $0x2000, s8, s13, $0x20;
	[tilespmem:$0x8080] =	vst v63  }
.LBB1_5:
0x14: {  	s14 =	sadd.s32 $0x1, s9  }
0x15: {  	s12 =	sadd.s32 $0x1000, s10;
	s16 =	smov.u32 s10;
	p2 =	sgt.s32 s14, $0xC7  }
0x16: {  	s16 =	smov.u32 @p2 s12  }
0x17: {  	s14 =	simm.s32 @p2 $0x0;
	p2 =	sgt.s32 s16, $0xFFF  }
0x18: {  	s16 =	smov.u32 @p2 s2;
	p2 =	sne.s32 s11, s7  }
.Ltmp1:
0x19: {  	p1 =	slt.u32 s11, $0x2;
	(pc) =	sbr.rel @!p2 .LBB1_6-.Ltmp1, $4  }
0x1a: {  	s15 =	simm.s32 @!p1 $0x2  }
0x1b: {  	s13 =	smov.u32 s10;
	p0 =	por !p0, !p0;
	_ =	swait.ge @!p1 [sflag:s15], $0x2000  }
0x1c: {  	s12 =	smov.u32 s9;
	[sflag:s15] =	ssyncset.done @!p1 $0x0;
	s9 =	smov.u32 s14  }
0x1d: {  	s11 =	sadd.s32 $0x1, s11;
	[sflag:s15] =	ssyncadd.s32 @!p1 $0xFFFFE000;
	s10 =	smov.u32 s16  }
.LBB1_1:
0x1e: {  	p1 =	sge.u32 s11, s5  }
0x1f: {  	s14 =	sand.u32 @!p1 $0x1FFFFFF, s9  }
0x20: {  	s15 =	smulhi.u32 @!p1 $0x147AE15, s14;
	_ =	sdelay $0x1  }
0x21: {  	s15 =	smul.u32 @!p1 $0xC8, s15  }
0x22: {  	s16 =	sxor.u32 @!p1 $0xFFFFFFFF, s11;
	s17 =	smul.u32 @!p1 $0xC80, s10  }
0x23: {  	s31 =	sadd.s32 $0xFFFFFFFF, s11;
	s16 =	sshll.u32 @!p1 s16, $0xD;
	s14 =	ssub.s32 @!p1 s14, s15  }
0x24: {  	s15 =	sand.u32 @!p1 $0x2000, s16;
	s16 =	sadd.s32 @!p1 s6, s17;
	s14 =	sshll.u32 @!p1 s14, $0x4  }
0x25: {  	s17 =	simm.s32 @!p1 $0x6400;
	s14 =	sadd.s32 @!p1 s14, s16;
	s16 =	simm.s32 @!p1 $0x40  }
0x26: {  	[tilespmem:s15], [sflag:$0x1] =	stream.strided.gather @!p1 [hbm4b:s14+s16], $0x2000, s17, s16, $0x38;
	[tilespmem:$0x8080] =	vst v63  }
0x27: {  	p1 =	sge.u32 s31, s5  }
.Ltmp2:
0x28: {  	_ = 	snop;
	(pc) =	sbr.rel @p1 .LBB1_5-.Ltmp2, $1  }
0x29: {  	_ =	sdelay $0x3  }
0x2a: {  	s14 =	simm.s32 $0x1  }
0x2b: {  	_ =	swait.ge [sflag:s4], $0x2000;
	s14 =	simm.s32 @!p0 $0x0  }
0x2c: {  	[sflag:s4] =	ssyncset.done $0x0;
	s15 =	sshll.u32 s14, $0xD  }
0x2d: {  	[sflag:s4] =	ssyncadd.s32 $0xFFFFE000;
	s18 =	sor.u32 $0x20, s15  }
0x2e: {  	s14 =	smul.u32 $0x8100, s14;
	v3 =	vld [tilespmem:s18+$0x10]  }
0x2f: {  	s30 =	sand.u32 $0x1, s11;
	v2 =	vld [tilespmem:s18+$0xFFFFFFF0]  }
0x30: {  	s15 =	smul.u32 $0x8100, s30;
	s14 =	sshrl.u32 s14, $0x2;
	v0 =	vld [tilespmem:s18+$0x0]  }
0x31: {  	v1 =	vld [tilespmem:s18+$0xFFFFFFE0];
	s16 =	sor.u32 $0x4000, s14  }
0x32: {  	s31 =	sshrl.u32 s15, $0x2;
	s15 =	sadd.s32 $0x0, s16  }
0x33: {  	s17 =	simm.s32 $0x4;
	s18 =	sadd.s32 $0x40, s18;
	s14 =	sor.u32 $0x4000, s31;
	[tilespmem:s15+$0x1830 ss:$0x81] =	vst.msk $0xffff, v3  }
.LBB1_3:
0x34: {  	v3 =	vld [tilespmem:s18+$0x10];
	p1 =	sne.s32 s17, $0x1FC;
	[tilespmem:s15+$0x810 ss:$0x81] =	vst.msk $0xffff, v2;
	s19 =	smov.u32 s17;
	s17 =	sadd.s32 $0x4, s17  }
.Ltmp3:
0x35: {  	v2 =	vld [tilespmem:s18+$0xFFFFFFF0];
	[tilespmem:s15+$0x1020 ss:$0x81] =	vst.msk $0xffff, v0;
	(pc) =	sbr.rel @p1 .LBB1_3-.Ltmp3, $4  }
0x36: {  	v0 =	vld [tilespmem:s18+$0x0];
	[tilespmem:s15+$0x0 ss:$0x81] =	vst.msk $0xffff, v1  }
0x37: {  	s15 =	sshra.s32 s19, $0x2;
	v1 =	vld [tilespmem:s18+$0xFFFFFFE0]  }
0x38: {  	s15 =	sadd.s32 s15, s16  }
0x39: {  	s18 =	sadd.s32 $0x40, s18;
	[tilespmem:s15+$0x1830 ss:$0x81] =	vst.msk $0xffff, v3  }
.Ltmp4:
0x3a: {  	_ = 	snop;
	(pc) =	sbr.rel .LBB1_4-.Ltmp4, $1  }
0x3b: {  	_ =	sdelay $0x3  }
.LBB1_6:
0x3c: {  	_ =	sfence.sel $0x180000  }
0x3d: {  	s2 =	simm.s32 $0x1;
	[bflag:$0x0] =	sbarrier.arrive $0xFFFF  }
0x3e: {  	s31 =	simm.s32 $0x2;
	[sflag:s2] =	ssyncpa.u1 $0x1  }
0x3f: {  	[sflag:s31] =	ssyncpa.u1 $0x1  }
0x40: {  	p0 =	sne.s32 s0, $0x0;
	_ =	strace $0x9000004A  }
0x41: {  	s0 =	sadd.s32 @!p0 $0x100000, s1;
	[bflag:$0x2] =	sbarrier.arrive $0xFFFF  }
0x42: {  	[sflag:s0] =	ssyncadd.tile.s32 @!p0 $0x1;
	_ =	shalt  }
.Lfunc_end1:
_tile_overlayer_lowered:
.L_overlay_start_2:
0x43: {  	(tag) =	ssettag $0x2  }
0x44: {  	s0 =	rddreg [dreg:$0x0];
	s2 =	stileid.u32  }
0x45: {  	s1 =	rddreg [dreg:$0x1];
	p0 =	sne.s32 s2, $0x0  }
0x46: {  	s3 =	rddreg [dreg:$0x2];
	[bflag:$0x3] =	sbarrier.arrive $0xFFFF;
	s2 =	simm.s32 @!p0 $0x1C01  }
0x47: {  	[timem:s3], [sflag:s2] =	dma.local @!p0 [hbm:s0], s1  }
0x48: {  	s0 =	simm.s32 @!p0 $0x1  }
0x49: {  	_ =	swait.ge @!p0 [sflag:s0], s1  }
0x4a: {  	s1 =	ssub.s32 @!p0 $0x0, s1;
	[sflag:s0] =	ssyncset.done @!p0 $0x0  }
0x4b: {  	[sflag:s0] =	ssyncadd.s32 @!p0 s1  }
0x4c: {  	[bflag:$0x3] =	sbarrier.arrive $0xFFFF  }
0x4d: {  	_ =	shalt  }

</sc_bundles>
